<compile_context>
chip_gen: v7x
topology: tpu7x:2x2x1
jax: 0.10.2.dev20260603
libtpu: 0.0.44.dev20260713+nightly
codegen_flags: <defaults>
</compile_context>

<pallas_src>
import functools

import jax
import jax.numpy as jnp
from jax import lax
from jax.experimental import pallas as pl
from jax.experimental.pallas import tpu as pltpu
from jax.experimental.pallas import tpu_sc as plsc

EMB = 128
N_ROWS = 4096 * 200
NC, NS = 2, 16
NW = NC * NS
ROWS_PER_W = N_ROWS // NW
CHUNK = 128
NCHUNK = ROWS_PER_W // CHUNK
NBUF = 5
DEFER = 2
NGROUP = NCHUNK // NBUF


def _make_lookup():
  mesh = plsc.VectorSubcoreMesh(core_axis_name="c", subcore_axis_name="s")

  @functools.partial(
      pl.kernel,
      mesh=mesh,
      out_type=jax.ShapeDtypeStruct((N_ROWS, EMB), jnp.float32),
      scratch_types=[
          pltpu.VMEM((NCHUNK, CHUNK), jnp.int32),
          pltpu.VMEM((NBUF, CHUNK, EMB), jnp.float32),
          pltpu.VMEM_SHARED((NS, CHUNK, EMB), jnp.float32),
      ]
      + [pltpu.SemaphoreType.DMA] * (2 * NBUF),
  )
  def lookup(table_hbm, idx_hbm, out_hbm, idx_v, bufs, shared, *sems):
    gsem = sems[:NBUF]
    osem = sems[NBUF:]
    sid = lax.axis_index("s")
    wid = sid * NC + lax.axis_index("c")
    base = wid * ROWS_PER_W
    pltpu.sync_copy(idx_hbm.at[wid], idx_v)

    def start_gather(j, b):
      pltpu.async_copy(table_hbm.at[idx_v.at[j]], bufs.at[b], gsem[b])

    def wait_gather(b):
      pltpu.make_async_copy(
          table_hbm.at[pl.ds(0, CHUNK)], bufs.at[b], gsem[b]).wait()

    def start_out(j, b):
      pltpu.async_copy(bufs.at[b], shared.at[sid], osem[b])

    def wait_out(b):
      pltpu.make_async_copy(bufs.at[b], shared.at[sid], osem[b]).wait()

    def step(j, b, recycle, restart):
      wait_gather(b)
      start_out(j, b)
      b2 = (b - DEFER) % NBUF
      if recycle:
        wait_out(b2)
      if restart:
        start_gather(j + NBUF - DEFER, b2)

    for b in range(NBUF):
      start_gather(b, b)

    for b in range(NBUF):
      step(b, b, recycle=(b >= DEFER), restart=(b >= DEFER))

    def group(g, carry):
      for b in range(NBUF):
        step(g * NBUF + b, b, recycle=True, restart=True)
      return carry

    lax.fori_loop(1, NGROUP - 1, group, 0)

    for b in range(NBUF):
      j = (NGROUP - 1) * NBUF + b
      step(j, b, recycle=True, restart=(j + NBUF - DEFER < NCHUNK))

    for b in range(NBUF - DEFER, NBUF):
      wait_out(b)

    pltpu.sync_copy(bufs.at[0], out_hbm.at[pl.ds(base, CHUNK)])

  return lookup


_lookup = _make_lookup()


def kernel(source, emb_lut):
  idx = source.reshape(NW, NCHUNK, CHUNK).astype(jnp.int32)
  out = _lookup(emb_lut, idx)
  return out.reshape(source.shape[0], source.shape[1], EMB)

# --- scband reference (transcript-rebuilt; emitter-appended) ---
"""Pipeline reference for scband-embedder-26740466385542 (READ-ONLY COPY).

The authoritative reference and input builder live on the scoring server;
editing this copy changes nothing except your own understanding.
"""

import jax, jax.numpy as jnp
import numpy as np

VOCAB = 100000
EMB = 128
PAD_IDX = 0
INIT_W = 0.1

def setup_inputs(seed: int = 0) -> dict:
    key = jax.random.key(seed)
    k1, k2 = jax.random.split(key)
    source = jax.random.randint(k1, (4096, 200), 0, VOCAB, dtype=jnp.int64 if jax.config.jax_enable_x64 else jnp.int32)
    emb_lut = jax.random.uniform(k2, (VOCAB, EMB), dtype=jnp.float32, minval=-INIT_W, maxval=INIT_W)
    # padding_idx row is zeroed, matching nn.Embedding(padding_idx=PAD_idx)
    emb_lut = emb_lut.at[PAD_IDX].set(0.0)
    return {"source": source, "emb_lut": emb_lut}

def reference(source, emb_lut):
    # Embedder.forward: self.emb_lut(source)
    return jnp.take(emb_lut, source, axis=0)

if __name__ == "__main__":
    import jax
    _d = setup_inputs()
    print(jax.jit(kernel)(*tuple(_d.values())))

</pallas_src>

<mosaic_0001>
#map = affine_map<(d0, d1) -> (0, 0)>
#map1 = affine_map<(d0, d1) -> (0, 0, 0)>
module attributes {stable_mosaic.version = 14 : i64} {
  func.func @lookup(%arg0: i32, %arg1: i32, %arg2: memref<100000x128xf32, #tpu.memory_space<hbm>>, %arg3: memref<32x200x128xi32, #tpu.memory_space<hbm>>, %arg4: memref<819200x128xf32, #tpu.memory_space<hbm>>, %arg5: memref<200x128xi32, #tpu.memory_space<vmem>>, %arg6: memref<5x128x128xf32, #tpu.memory_space<vmem>>, %arg7: memref<16x128x128xf32, #tpu.memory_space<vmem_shared>>, %arg8: memref<!tpu.dma_semaphore, #tpu.memory_space<semaphore_mem>>, %arg9: memref<!tpu.dma_semaphore, #tpu.memory_space<semaphore_mem>>, %arg10: memref<!tpu.dma_semaphore, #tpu.memory_space<semaphore_mem>>, %arg11: memref<!tpu.dma_semaphore, #tpu.memory_space<semaphore_mem>>, %arg12: memref<!tpu.dma_semaphore, #tpu.memory_space<semaphore_mem>>, %arg13: memref<!tpu.dma_semaphore, #tpu.memory_space<semaphore_mem>>, %arg14: memref<!tpu.dma_semaphore, #tpu.memory_space<semaphore_mem>>, %arg15: memref<!tpu.dma_semaphore, #tpu.memory_space<semaphore_mem>>, %arg16: memref<!tpu.dma_semaphore, #tpu.memory_space<semaphore_mem>>, %arg17: memref<!tpu.dma_semaphore, #tpu.memory_space<semaphore_mem>>) attributes {dimension_semantics = [#tpu.dimension_semantics<core_parallel>, #tpu.dimension_semantics<subcore_parallel>], iteration_bounds = array<i64: 2, 16>, scalar_prefetch = 0 : i64, scratch_operands = 13 : i64, tpu.core_type = #tpu.core_type<sc_vector_subcore>, window_params = [{transform_indices = #map}, {transform_indices = #map1}, {transform_indices = #map}]} {
    %mul3A = arith.constant 2 : i32
    %mul3A_0 = arith.muli %arg1, %mul3A : i32
    %add3A = arith.addi %mul3A_0, %arg0 : i32
    %mul3A_1 = arith.constant 25600 : i32
    %mul3A_2 = arith.muli %add3A, %mul3A_1 : i32
    "tpu.region"() ({
      %run_scoped3A_616 = tpu.sem_alloc : memref<!tpu.dma_semaphore, #tpu.memory_space<semaphore_mem>>
      %dma_start3A_617 = arith.constant 0 : i32
      %dma_start3A_618 = arith.constant 0 : i32
      %dma_start3A_619 = tpu.memref_slice %arg3[%add3A, %dma_start3A_617, %dma_start3A_618] : memref<32x200x128xi32, #tpu.memory_space<hbm>> -> memref<1x200x128xi32, #tpu.memory_space<hbm>>
      %dma_start3A_620 = tpu.memref_squeeze %dma_start3A_619 : memref<1x200x128xi32, #tpu.memory_space<hbm>> -> memref<200x128xi32, #tpu.memory_space<hbm>>
      %dma_start3A_621 = arith.constant 0 : i32
      %dma_start3A_622 = arith.constant 0 : i32
      %dma_start3A_623 = tpu.memref_slice %arg3[%add3A, %dma_start3A_621, %dma_start3A_622] : memref<32x200x128xi32, #tpu.memory_space<hbm>> -> memref<1x200x128xi32, #tpu.memory_space<hbm>>
      %dma_start3A_624 = tpu.memref_squeeze %dma_start3A_623 : memref<1x200x128xi32, #tpu.memory_space<hbm>> -> memref<200x128xi32, #tpu.memory_space<hbm>>
      tpu.enqueue_dma source(%dma_start3A_624 : memref<200x128xi32, #tpu.memory_space<hbm>>) target(%arg5 : memref<200x128xi32, #tpu.memory_space<vmem>>) target_semaphore(%run_scoped3A_616 : memref<!tpu.dma_semaphore, #tpu.memory_space<semaphore_mem>>)
      %dma_wait3A_625 = arith.constant 0 : i32
      %dma_wait3A_626 = arith.constant 0 : i32
      %dma_wait3A_627 = tpu.memref_slice %arg3[%add3A, %dma_wait3A_625, %dma_wait3A_626] : memref<32x200x128xi32, #tpu.memory_space<hbm>> -> memref<1x200x128xi32, #tpu.memory_space<hbm>>
      %dma_wait3A_628 = tpu.memref_squeeze %dma_wait3A_627 : memref<1x200x128xi32, #tpu.memory_space<hbm>> -> memref<200x128xi32, #tpu.memory_space<hbm>>
      %dma_wait3A_629 = arith.constant 0 : i32
      %dma_wait3A_630 = arith.constant 0 : i32
      %dma_wait3A_631 = tpu.memref_slice %arg3[%add3A, %dma_wait3A_629, %dma_wait3A_630] : memref<32x200x128xi32, #tpu.memory_space<hbm>> -> memref<1x200x128xi32, #tpu.memory_space<hbm>>
      %dma_wait3A_632 = tpu.memref_squeeze %dma_wait3A_631 : memref<1x200x128xi32, #tpu.memory_space<hbm>> -> memref<200x128xi32, #tpu.memory_space<hbm>>
      tpu.wait_dma2 semaphore(%run_scoped3A_616 : memref<!tpu.dma_semaphore, #tpu.memory_space<semaphore_mem>>) src(%dma_wait3A_632 : memref<200x128xi32, #tpu.memory_space<hbm>>) dst(%arg5 : memref<200x128xi32, #tpu.memory_space<vmem>>)
      tpu.yield
    }) : () -> ()
    %dma_start3A = arith.constant 0 : i32
    %dma_start3A_3 = arith.constant 0 : i32
    %dma_start3A_4 = arith.constant 0 : i32
    %dma_start3A_5 = arith.constant 0 : i32
    %dma_start3A_6 = tpu.memref_slice %arg6[%dma_start3A_3, %dma_start3A_4, %dma_start3A_5] : memref<5x128x128xf32, #tpu.memory_space<vmem>> -> memref<1x128x128xf32, #tpu.memory_space<vmem>>
    %dma_start3A_7 = tpu.memref_squeeze %dma_start3A_6 : memref<1x128x128xf32, #tpu.memory_space<vmem>> -> memref<128x128xf32, #tpu.memory_space<vmem>>
    %dma_start3A_8 = arith.constant 0 : i32
    %dma_start3A_9 = tpu.memref_slice %arg5[%dma_start3A, %dma_start3A_8] : memref<200x128xi32, #tpu.memory_space<vmem>> -> memref<1x128xi32, #tpu.memory_space<vmem>>
    %dma_start3A_10 = tpu.memref_squeeze %dma_start3A_9 : memref<1x128xi32, #tpu.memory_space<vmem>> -> memref<128xi32, #tpu.memory_space<vmem>>
    %dma_start3A_11 = arith.constant 0 : i32
    %dma_start3A_12 = arith.constant 0 : i32
    %dma_start3A_13 = tpu.memref_slice %arg2[%dma_start3A_11, %dma_start3A_12] : memref<100000x128xf32, #tpu.memory_space<hbm>> -> memref<100000x128xf32, #tpu.memory_space<hbm>>
    tpu.enqueue_indirect_dma source(%dma_start3A_13 : memref<100000x128xf32, #tpu.memory_space<hbm>>) target(%dma_start3A_7 : memref<128x128xf32, #tpu.memory_space<vmem>>) offsets(%dma_start3A_10 : memref<128xi32, #tpu.memory_space<vmem>>) semaphore(%arg8 : memref<!tpu.dma_semaphore, #tpu.memory_space<semaphore_mem>>)
    %dma_start3A_14 = arith.constant 1 : i32
    %dma_start3A_15 = arith.constant 1 : i32
    %dma_start3A_16 = arith.constant 0 : i32
    %dma_start3A_17 = arith.constant 0 : i32
    %dma_start3A_18 = tpu.memref_slice %arg6[%dma_start3A_15, %dma_start3A_16, %dma_start3A_17] : memref<5x128x128xf32, #tpu.memory_space<vmem>> -> memref<1x128x128xf32, #tpu.memory_space<vmem>>
    %dma_start3A_19 = tpu.memref_squeeze %dma_start3A_18 : memref<1x128x128xf32, #tpu.memory_space<vmem>> -> memref<128x128xf32, #tpu.memory_space<vmem>>
    %dma_start3A_20 = arith.constant 0 : i32
    %dma_start3A_21 = tpu.memref_slice %arg5[%dma_start3A_14, %dma_start3A_20] : memref<200x128xi32, #tpu.memory_space<vmem>> -> memref<1x128xi32, #tpu.memory_space<vmem>>
    %dma_start3A_22 = tpu.memref_squeeze %dma_start3A_21 : memref<1x128xi32, #tpu.memory_space<vmem>> -> memref<128xi32, #tpu.memory_space<vmem>>
    %dma_start3A_23 = arith.constant 0 : i32
    %dma_start3A_24 = arith.constant 0 : i32
    %dma_start3A_25 = tpu.memref_slice %arg2[%dma_start3A_23, %dma_start3A_24] : memref<100000x128xf32, #tpu.memory_space<hbm>> -> memref<100000x128xf32, #tpu.memory_space<hbm>>
    tpu.enqueue_indirect_dma source(%dma_start3A_25 : memref<100000x128xf32, #tpu.memory_space<hbm>>) target(%dma_start3A_19 : memref<128x128xf32, #tpu.memory_space<vmem>>) offsets(%dma_start3A_22 : memref<128xi32, #tpu.memory_space<vmem>>) semaphore(%arg9 : memref<!tpu.dma_semaphore, #tpu.memory_space<semaphore_mem>>)
    %dma_start3A_26 = arith.constant 2 : i32
    %dma_start3A_27 = arith.constant 2 : i32
    %dma_start3A_28 = arith.constant 0 : i32
    %dma_start3A_29 = arith.constant 0 : i32
    %dma_start3A_30 = tpu.memref_slice %arg6[%dma_start3A_27, %dma_start3A_28, %dma_start3A_29] : memref<5x128x128xf32, #tpu.memory_space<vmem>> -> memref<1x128x128xf32, #tpu.memory_space<vmem>>
    %dma_start3A_31 = tpu.memref_squeeze %dma_start3A_30 : memref<1x128x128xf32, #tpu.memory_space<vmem>> -> memref<128x128xf32, #tpu.memory_space<vmem>>
    %dma_start3A_32 = arith.constant 0 : i32
    %dma_start3A_33 = tpu.memref_slice %arg5[%dma_start3A_26, %dma_start3A_32] : memref<200x128xi32, #tpu.memory_space<vmem>> -> memref<1x128xi32, #tpu.memory_space<vmem>>
    %dma_start3A_34 = tpu.memref_squeeze %dma_start3A_33 : memref<1x128xi32, #tpu.memory_space<vmem>> -> memref<128xi32, #tpu.memory_space<vmem>>
    %dma_start3A_35 = arith.constant 0 : i32
    %dma_start3A_36 = arith.constant 0 : i32
    %dma_start3A_37 = tpu.memref_slice %arg2[%dma_start3A_35, %dma_start3A_36] : memref<100000x128xf32, #tpu.memory_space<hbm>> -> memref<100000x128xf32, #tpu.memory_space<hbm>>
    tpu.enqueue_indirect_dma source(%dma_start3A_37 : memref<100000x128xf32, #tpu.memory_space<hbm>>) target(%dma_start3A_31 : memref<128x128xf32, #tpu.memory_space<vmem>>) offsets(%dma_start3A_34 : memref<128xi32, #tpu.memory_space<vmem>>) semaphore(%arg10 : memref<!tpu.dma_semaphore, #tpu.memory_space<semaphore_mem>>)
    %dma_start3A_38 = arith.constant 3 : i32
    %dma_start3A_39 = arith.constant 3 : i32
    %dma_start3A_40 = arith.constant 0 : i32
    %dma_start3A_41 = arith.constant 0 : i32
    %dma_start3A_42 = tpu.memref_slice %arg6[%dma_start3A_39, %dma_start3A_40, %dma_start3A_41] : memref<5x128x128xf32, #tpu.memory_space<vmem>> -> memref<1x128x128xf32, #tpu.memory_space<vmem>>
    %dma_start3A_43 = tpu.memref_squeeze %dma_start3A_42 : memref<1x128x128xf32, #tpu.memory_space<vmem>> -> memref<128x128xf32, #tpu.memory_space<vmem>>
    %dma_start3A_44 = arith.constant 0 : i32
    %dma_start3A_45 = tpu.memref_slice %arg5[%dma_start3A_38, %dma_start3A_44] : memref<200x128xi32, #tpu.memory_space<vmem>> -> memref<1x128xi32, #tpu.memory_space<vmem>>
    %dma_start3A_46 = tpu.memref_squeeze %dma_start3A_45 : memref<1x128xi32, #tpu.memory_space<vmem>> -> memref<128xi32, #tpu.memory_space<vmem>>
    %dma_start3A_47 = arith.constant 0 : i32
    %dma_start3A_48 = arith.constant 0 : i32
    %dma_start3A_49 = tpu.memref_slice %arg2[%dma_start3A_47, %dma_start3A_48] : memref<100000x128xf32, #tpu.memory_space<hbm>> -> memref<100000x128xf32, #tpu.memory_space<hbm>>
    tpu.enqueue_indirect_dma source(%dma_start3A_49 : memref<100000x128xf32, #tpu.memory_space<hbm>>) target(%dma_start3A_43 : memref<128x128xf32, #tpu.memory_space<vmem>>) offsets(%dma_start3A_46 : memref<128xi32, #tpu.memory_space<vmem>>) semaphore(%arg11 : memref<!tpu.dma_semaphore, #tpu.memory_space<semaphore_mem>>)
    %dma_start3A_50 = arith.constant 4 : i32
    %dma_start3A_51 = arith.constant 4 : i32
    %dma_start3A_52 = arith.constant 0 : i32
    %dma_start3A_53 = arith.constant 0 : i32
    %dma_start3A_54 = tpu.memref_slice %arg6[%dma_start3A_51, %dma_start3A_52, %dma_start3A_53] : memref<5x128x128xf32, #tpu.memory_space<vmem>> -> memref<1x128x128xf32, #tpu.memory_space<vmem>>
    %dma_start3A_55 = tpu.memref_squeeze %dma_start3A_54 : memref<1x128x128xf32, #tpu.memory_space<vmem>> -> memref<128x128xf32, #tpu.memory_space<vmem>>
    %dma_start3A_56 = arith.constant 0 : i32
    %dma_start3A_57 = tpu.memref_slice %arg5[%dma_start3A_50, %dma_start3A_56] : memref<200x128xi32, #tpu.memory_space<vmem>> -> memref<1x128xi32, #tpu.memory_space<vmem>>
    %dma_start3A_58 = tpu.memref_squeeze %dma_start3A_57 : memref<1x128xi32, #tpu.memory_space<vmem>> -> memref<128xi32, #tpu.memory_space<vmem>>
    %dma_start3A_59 = arith.constant 0 : i32
    %dma_start3A_60 = arith.constant 0 : i32
    %dma_start3A_61 = tpu.memref_slice %arg2[%dma_start3A_59, %dma_start3A_60] : memref<100000x128xf32, #tpu.memory_space<hbm>> -> memref<100000x128xf32, #tpu.memory_space<hbm>>
    tpu.enqueue_indirect_dma source(%dma_start3A_61 : memref<100000x128xf32, #tpu.memory_space<hbm>>) target(%dma_start3A_55 : memref<128x128xf32, #tpu.memory_space<vmem>>) offsets(%dma_start3A_58 : memref<128xi32, #tpu.memory_space<vmem>>) semaphore(%arg12 : memref<!tpu.dma_semaphore, #tpu.memory_space<semaphore_mem>>)
    %dma_wait3A = arith.constant 0 : i32
    %dma_wait3A_62 = arith.constant 0 : i32
    %dma_wait3A_63 = arith.constant 0 : i32
    %dma_wait3A_64 = tpu.memref_slice %arg6[%dma_wait3A, %dma_wait3A_62, %dma_wait3A_63] : memref<5x128x128xf32, #tpu.memory_space<vmem>> -> memref<1x128x128xf32, #tpu.memory_space<vmem>>
    %dma_wait3A_65 = tpu.memref_squeeze %dma_wait3A_64 : memref<1x128x128xf32, #tpu.memory_space<vmem>> -> memref<128x128xf32, #tpu.memory_space<vmem>>
    %dma_wait3A_66 = arith.constant 0 : i32
    %dma_wait3A_67 = arith.constant 0 : i32
    %dma_wait3A_68 = tpu.memref_slice %arg2[%dma_wait3A_66, %dma_wait3A_67] : memref<100000x128xf32, #tpu.memory_space<hbm>> -> memref<128x128xf32, #tpu.memory_space<hbm>>
    %dma_wait3A_69 = arith.constant 0 : i32
    %dma_wait3A_70 = arith.constant 0 : i32
    %dma_wait3A_71 = tpu.memref_slice %arg6[%dma_wait3A, %dma_wait3A_69, %dma_wait3A_70] : memref<5x128x128xf32, #tpu.memory_space<vmem>> -> memref<1x128x128xf32, #tpu.memory_space<vmem>>
    %dma_wait3A_72 = tpu.memref_squeeze %dma_wait3A_71 : memref<1x128x128xf32, #tpu.memory_space<vmem>> -> memref<128x128xf32, #tpu.memory_space<vmem>>
    %dma_wait3A_73 = arith.constant 0 : i32
    %dma_wait3A_74 = arith.constant 0 : i32
    %dma_wait3A_75 = tpu.memref_slice %arg2[%dma_wait3A_73, %dma_wait3A_74] : memref<100000x128xf32, #tpu.memory_space<hbm>> -> memref<128x128xf32, #tpu.memory_space<hbm>>
    tpu.wait_dma2 semaphore(%arg8 : memref<!tpu.dma_semaphore, #tpu.memory_space<semaphore_mem>>) src(%dma_wait3A_75 : memref<128x128xf32, #tpu.memory_space<hbm>>) dst(%dma_wait3A_72 : memref<128x128xf32, #tpu.memory_space<vmem>>)
    %dma_start3A_76 = arith.constant 0 : i32
    %dma_start3A_77 = arith.constant 0 : i32
    %dma_start3A_78 = arith.constant 0 : i32
    %dma_start3A_79 = tpu.memref_slice %arg6[%dma_start3A_76, %dma_start3A_77, %dma_start3A_78] : memref<5x128x128xf32, #tpu.memory_space<vmem>> -> memref<1x128x128xf32, #tpu.memory_space<vmem>>
    %dma_start3A_80 = tpu.memref_squeeze %dma_start3A_79 : memref<1x128x128xf32, #tpu.memory_space<vmem>> -> memref<128x128xf32, #tpu.memory_space<vmem>>
    %dma_start3A_81 = arith.constant 0 : i32
    %dma_start3A_82 = arith.constant 0 : i32
    %dma_start3A_83 = tpu.memref_slice %arg7[%arg1, %dma_start3A_81, %dma_start3A_82] : memref<16x128x128xf32, #tpu.memory_space<vmem_shared>> -> memref<1x128x128xf32, #tpu.memory_space<vmem_shared>>
    %dma_start3A_84 = tpu.memref_squeeze %dma_start3A_83 : memref<1x128x128xf32, #tpu.memory_space<vmem_shared>> -> memref<128x128xf32, #tpu.memory_space<vmem_shared>>
    %dma_start3A_85 = arith.constant 0 : i32
    %dma_start3A_86 = arith.constant 0 : i32
    %dma_start3A_87 = tpu.memref_slice %arg7[%arg1, %dma_start3A_85, %dma_start3A_86] : memref<16x128x128xf32, #tpu.memory_space<vmem_shared>> -> memref<1x128x128xf32, #tpu.memory_space<vmem_shared>>
    %dma_start3A_88 = tpu.memref_squeeze %dma_start3A_87 : memref<1x128x128xf32, #tpu.memory_space<vmem_shared>> -> memref<128x128xf32, #tpu.memory_space<vmem_shared>>
    %dma_start3A_89 = arith.constant 0 : i32
    %dma_start3A_90 = arith.constant 0 : i32
    %dma_start3A_91 = tpu.memref_slice %arg6[%dma_start3A_76, %dma_start3A_89, %dma_start3A_90] : memref<5x128x128xf32, #tpu.memory_space<vmem>> -> memref<1x128x128xf32, #tpu.memory_space<vmem>>
    %dma_start3A_92 = tpu.memref_squeeze %dma_start3A_91 : memref<1x128x128xf32, #tpu.memory_space<vmem>> -> memref<128x128xf32, #tpu.memory_space<vmem>>
    tpu.enqueue_dma source(%dma_start3A_92 : memref<128x128xf32, #tpu.memory_space<vmem>>) target(%dma_start3A_88 : memref<128x128xf32, #tpu.memory_space<vmem_shared>>) target_semaphore(%arg13 : memref<!tpu.dma_semaphore, #tpu.memory_space<semaphore_mem>>)
    %dma_wait3A_93 = arith.constant 1 : i32
    %dma_wait3A_94 = arith.constant 0 : i32
    %dma_wait3A_95 = arith.constant 0 : i32
    %dma_wait3A_96 = tpu.memref_slice %arg6[%dma_wait3A_93, %dma_wait3A_94, %dma_wait3A_95] : memref<5x128x128xf32, #tpu.memory_space<vmem>> -> memref<1x128x128xf32, #tpu.memory_space<vmem>>
    %dma_wait3A_97 = tpu.memref_squeeze %dma_wait3A_96 : memref<1x128x128xf32, #tpu.memory_space<vmem>> -> memref<128x128xf32, #tpu.memory_space<vmem>>
    %dma_wait3A_98 = arith.constant 0 : i32
    %dma_wait3A_99 = arith.constant 0 : i32
    %dma_wait3A_100 = tpu.memref_slice %arg2[%dma_wait3A_98, %dma_wait3A_99] : memref<100000x128xf32, #tpu.memory_space<hbm>> -> memref<128x128xf32, #tpu.memory_space<hbm>>
    %dma_wait3A_101 = arith.constant 0 : i32
    %dma_wait3A_102 = arith.constant 0 : i32
    %dma_wait3A_103 = tpu.memref_slice %arg6[%dma_wait3A_93, %dma_wait3A_101, %dma_wait3A_102] : memref<5x128x128xf32, #tpu.memory_space<vmem>> -> memref<1x128x128xf32, #tpu.memory_space<vmem>>
    %dma_wait3A_104 = tpu.memref_squeeze %dma_wait3A_103 : memref<1x128x128xf32, #tpu.memory_space<vmem>> -> memref<128x128xf32, #tpu.memory_space<vmem>>
    %dma_wait3A_105 = arith.constant 0 : i32
    %dma_wait3A_106 = arith.constant 0 : i32
    %dma_wait3A_107 = tpu.memref_slice %arg2[%dma_wait3A_105, %dma_wait3A_106] : memref<100000x128xf32, #tpu.memory_space<hbm>> -> memref<128x128xf32, #tpu.memory_space<hbm>>
    tpu.wait_dma2 semaphore(%arg9 : memref<!tpu.dma_semaphore, #tpu.memory_space<semaphore_mem>>) src(%dma_wait3A_107 : memref<128x128xf32, #tpu.memory_space<hbm>>) dst(%dma_wait3A_104 : memref<128x128xf32, #tpu.memory_space<vmem>>)
    %dma_start3A_108 = arith.constant 1 : i32
    %dma_start3A_109 = arith.constant 0 : i32
    %dma_start3A_110 = arith.constant 0 : i32
    %dma_start3A_111 = tpu.memref_slice %arg6[%dma_start3A_108, %dma_start3A_109, %dma_start3A_110] : memref<5x128x128xf32, #tpu.memory_space<vmem>> -> memref<1x128x128xf32, #tpu.memory_space<vmem>>
    %dma_start3A_112 = tpu.memref_squeeze %dma_start3A_111 : memref<1x128x128xf32, #tpu.memory_space<vmem>> -> memref<128x128xf32, #tpu.memory_space<vmem>>
    %dma_start3A_113 = arith.constant 0 : i32
    %dma_start3A_114 = arith.constant 0 : i32
    %dma_start3A_115 = tpu.memref_slice %arg7[%arg1, %dma_start3A_113, %dma_start3A_114] : memref<16x128x128xf32, #tpu.memory_space<vmem_shared>> -> memref<1x128x128xf32, #tpu.memory_space<vmem_shared>>
    %dma_start3A_116 = tpu.memref_squeeze %dma_start3A_115 : memref<1x128x128xf32, #tpu.memory_space<vmem_shared>> -> memref<128x128xf32, #tpu.memory_space<vmem_shared>>
    %dma_start3A_117 = arith.constant 0 : i32
    %dma_start3A_118 = arith.constant 0 : i32
    %dma_start3A_119 = tpu.memref_slice %arg7[%arg1, %dma_start3A_117, %dma_start3A_118] : memref<16x128x128xf32, #tpu.memory_space<vmem_shared>> -> memref<1x128x128xf32, #tpu.memory_space<vmem_shared>>
    %dma_start3A_120 = tpu.memref_squeeze %dma_start3A_119 : memref<1x128x128xf32, #tpu.memory_space<vmem_shared>> -> memref<128x128xf32, #tpu.memory_space<vmem_shared>>
    %dma_start3A_121 = arith.constant 0 : i32
    %dma_start3A_122 = arith.constant 0 : i32
    %dma_start3A_123 = tpu.memref_slice %arg6[%dma_start3A_108, %dma_start3A_121, %dma_start3A_122] : memref<5x128x128xf32, #tpu.memory_space<vmem>> -> memref<1x128x128xf32, #tpu.memory_space<vmem>>
    %dma_start3A_124 = tpu.memref_squeeze %dma_start3A_123 : memref<1x128x128xf32, #tpu.memory_space<vmem>> -> memref<128x128xf32, #tpu.memory_space<vmem>>
    tpu.enqueue_dma source(%dma_start3A_124 : memref<128x128xf32, #tpu.memory_space<vmem>>) target(%dma_start3A_120 : memref<128x128xf32, #tpu.memory_space<vmem_shared>>) target_semaphore(%arg14 : memref<!tpu.dma_semaphore, #tpu.memory_space<semaphore_mem>>)
    %dma_wait3A_125 = arith.constant 2 : i32
    %dma_wait3A_126 = arith.constant 0 : i32
    %dma_wait3A_127 = arith.constant 0 : i32
    %dma_wait3A_128 = tpu.memref_slice %arg6[%dma_wait3A_125, %dma_wait3A_126, %dma_wait3A_127] : memref<5x128x128xf32, #tpu.memory_space<vmem>> -> memref<1x128x128xf32, #tpu.memory_space<vmem>>
    %dma_wait3A_129 = tpu.memref_squeeze %dma_wait3A_128 : memref<1x128x128xf32, #tpu.memory_space<vmem>> -> memref<128x128xf32, #tpu.memory_space<vmem>>
    %dma_wait3A_130 = arith.constant 0 : i32
    %dma_wait3A_131 = arith.constant 0 : i32
    %dma_wait3A_132 = tpu.memref_slice %arg2[%dma_wait3A_130, %dma_wait3A_131] : memref<100000x128xf32, #tpu.memory_space<hbm>> -> memref<128x128xf32, #tpu.memory_space<hbm>>
    %dma_wait3A_133 = arith.constant 0 : i32
    %dma_wait3A_134 = arith.constant 0 : i32
    %dma_wait3A_135 = tpu.memref_slice %arg6[%dma_wait3A_125, %dma_wait3A_133, %dma_wait3A_134] : memref<5x128x128xf32, #tpu.memory_space<vmem>> -> memref<1x128x128xf32, #tpu.memory_space<vmem>>
    %dma_wait3A_136 = tpu.memref_squeeze %dma_wait3A_135 : memref<1x128x128xf32, #tpu.memory_space<vmem>> -> memref<128x128xf32, #tpu.memory_space<vmem>>
    %dma_wait3A_137 = arith.constant 0 : i32
    %dma_wait3A_138 = arith.constant 0 : i32
    %dma_wait3A_139 = tpu.memref_slice %arg2[%dma_wait3A_137, %dma_wait3A_138] : memref<100000x128xf32, #tpu.memory_space<hbm>> -> memref<128x128xf32, #tpu.memory_space<hbm>>
    tpu.wait_dma2 semaphore(%arg10 : memref<!tpu.dma_semaphore, #tpu.memory_space<semaphore_mem>>) src(%dma_wait3A_139 : memref<128x128xf32, #tpu.memory_space<hbm>>) dst(%dma_wait3A_136 : memref<128x128xf32, #tpu.memory_space<vmem>>)
    %dma_start3A_140 = arith.constant 2 : i32
    %dma_start3A_141 = arith.constant 0 : i32
    %dma_start3A_142 = arith.constant 0 : i32
    %dma_start3A_143 = tpu.memref_slice %arg6[%dma_start3A_140, %dma_start3A_141, %dma_start3A_142] : memref<5x128x128xf32, #tpu.memory_space<vmem>> -> memref<1x128x128xf32, #tpu.memory_space<vmem>>
    %dma_start3A_144 = tpu.memref_squeeze %dma_start3A_143 : memref<1x128x128xf32, #tpu.memory_space<vmem>> -> memref<128x128xf32, #tpu.memory_space<vmem>>
    %dma_start3A_145 = arith.constant 0 : i32
    %dma_start3A_146 = arith.constant 0 : i32
    %dma_start3A_147 = tpu.memref_slice %arg7[%arg1, %dma_start3A_145, %dma_start3A_146] : memref<16x128x128xf32, #tpu.memory_space<vmem_shared>> -> memref<1x128x128xf32, #tpu.memory_space<vmem_shared>>
    %dma_start3A_148 = tpu.memref_squeeze %dma_start3A_147 : memref<1x128x128xf32, #tpu.memory_space<vmem_shared>> -> memref<128x128xf32, #tpu.memory_space<vmem_shared>>
    %dma_start3A_149 = arith.constant 0 : i32
    %dma_start3A_150 = arith.constant 0 : i32
    %dma_start3A_151 = tpu.memref_slice %arg7[%arg1, %dma_start3A_149, %dma_start3A_150] : memref<16x128x128xf32, #tpu.memory_space<vmem_shared>> -> memref<1x128x128xf32, #tpu.memory_space<vmem_shared>>
    %dma_start3A_152 = tpu.memref_squeeze %dma_start3A_151 : memref<1x128x128xf32, #tpu.memory_space<vmem_shared>> -> memref<128x128xf32, #tpu.memory_space<vmem_shared>>
    %dma_start3A_153 = arith.constant 0 : i32
    %dma_start3A_154 = arith.constant 0 : i32
    %dma_start3A_155 = tpu.memref_slice %arg6[%dma_start3A_140, %dma_start3A_153, %dma_start3A_154] : memref<5x128x128xf32, #tpu.memory_space<vmem>> -> memref<1x128x128xf32, #tpu.memory_space<vmem>>
    %dma_start3A_156 = tpu.memref_squeeze %dma_start3A_155 : memref<1x128x128xf32, #tpu.memory_space<vmem>> -> memref<128x128xf32, #tpu.memory_space<vmem>>
    tpu.enqueue_dma source(%dma_start3A_156 : memref<128x128xf32, #tpu.memory_space<vmem>>) target(%dma_start3A_152 : memref<128x128xf32, #tpu.memory_space<vmem_shared>>) target_semaphore(%arg15 : memref<!tpu.dma_semaphore, #tpu.memory_space<semaphore_mem>>)
    %dma_wait3A_157 = arith.constant 0 : i32
    %dma_wait3A_158 = arith.constant 0 : i32
    %dma_wait3A_159 = arith.constant 0 : i32
    %dma_wait3A_160 = tpu.memref_slice %arg6[%dma_wait3A_157, %dma_wait3A_158, %dma_wait3A_159] : memref<5x128x128xf32, #tpu.memory_space<vmem>> -> memref<1x128x128xf32, #tpu.memory_space<vmem>>
    %dma_wait3A_161 = tpu.memref_squeeze %dma_wait3A_160 : memref<1x128x128xf32, #tpu.memory_space<vmem>> -> memref<128x128xf32, #tpu.memory_space<vmem>>
    %dma_wait3A_162 = arith.constant 0 : i32
    %dma_wait3A_163 = arith.constant 0 : i32
    %dma_wait3A_164 = tpu.memref_slice %arg7[%arg1, %dma_wait3A_162, %dma_wait3A_163] : memref<16x128x128xf32, #tpu.memory_space<vmem_shared>> -> memref<1x128x128xf32, #tpu.memory_space<vmem_shared>>
    %dma_wait3A_165 = tpu.memref_squeeze %dma_wait3A_164 : memref<1x128x128xf32, #tpu.memory_space<vmem_shared>> -> memref<128x128xf32, #tpu.memory_space<vmem_shared>>
    %dma_wait3A_166 = arith.constant 0 : i32
    %dma_wait3A_167 = arith.constant 0 : i32
    %dma_wait3A_168 = tpu.memref_slice %arg7[%arg1, %dma_wait3A_166, %dma_wait3A_167] : memref<16x128x128xf32, #tpu.memory_space<vmem_shared>> -> memref<1x128x128xf32, #tpu.memory_space<vmem_shared>>
    %dma_wait3A_169 = tpu.memref_squeeze %dma_wait3A_168 : memref<1x128x128xf32, #tpu.memory_space<vmem_shared>> -> memref<128x128xf32, #tpu.memory_space<vmem_shared>>
    %dma_wait3A_170 = arith.constant 0 : i32
    %dma_wait3A_171 = arith.constant 0 : i32
    %dma_wait3A_172 = tpu.memref_slice %arg6[%dma_wait3A_157, %dma_wait3A_170, %dma_wait3A_171] : memref<5x128x128xf32, #tpu.memory_space<vmem>> -> memref<1x128x128xf32, #tpu.memory_space<vmem>>
    %dma_wait3A_173 = tpu.memref_squeeze %dma_wait3A_172 : memref<1x128x128xf32, #tpu.memory_space<vmem>> -> memref<128x128xf32, #tpu.memory_space<vmem>>
    tpu.wait_dma2 semaphore(%arg13 : memref<!tpu.dma_semaphore, #tpu.memory_space<semaphore_mem>>) src(%dma_wait3A_173 : memref<128x128xf32, #tpu.memory_space<vmem>>) dst(%dma_wait3A_169 : memref<128x128xf32, #tpu.memory_space<vmem_shared>>)
    %dma_start3A_174 = arith.constant 5 : i32
    %dma_start3A_175 = arith.constant 0 : i32
    %dma_start3A_176 = arith.constant 0 : i32
    %dma_start3A_177 = arith.constant 0 : i32
    %dma_start3A_178 = tpu.memref_slice %arg6[%dma_start3A_175, %dma_start3A_176, %dma_start3A_177] : memref<5x128x128xf32, #tpu.memory_space<vmem>> -> memref<1x128x128xf32, #tpu.memory_space<vmem>>
    %dma_start3A_179 = tpu.memref_squeeze %dma_start3A_178 : memref<1x128x128xf32, #tpu.memory_space<vmem>> -> memref<128x128xf32, #tpu.memory_space<vmem>>
    %dma_start3A_180 = arith.constant 0 : i32
    %dma_start3A_181 = tpu.memref_slice %arg5[%dma_start3A_174, %dma_start3A_180] : memref<200x128xi32, #tpu.memory_space<vmem>> -> memref<1x128xi32, #tpu.memory_space<vmem>>
    %dma_start3A_182 = tpu.memref_squeeze %dma_start3A_181 : memref<1x128xi32, #tpu.memory_space<vmem>> -> memref<128xi32, #tpu.memory_space<vmem>>
    %dma_start3A_183 = arith.constant 0 : i32
    %dma_start3A_184 = arith.constant 0 : i32
    %dma_start3A_185 = tpu.memref_slice %arg2[%dma_start3A_183, %dma_start3A_184] : memref<100000x128xf32, #tpu.memory_space<hbm>> -> memref<100000x128xf32, #tpu.memory_space<hbm>>
    tpu.enqueue_indirect_dma source(%dma_start3A_185 : memref<100000x128xf32, #tpu.memory_space<hbm>>) target(%dma_start3A_179 : memref<128x128xf32, #tpu.memory_space<vmem>>) offsets(%dma_start3A_182 : memref<128xi32, #tpu.memory_space<vmem>>) semaphore(%arg8 : memref<!tpu.dma_semaphore, #tpu.memory_space<semaphore_mem>>)
    %dma_wait3A_186 = arith.constant 3 : i32
    %dma_wait3A_187 = arith.constant 0 : i32
    %dma_wait3A_188 = arith.constant 0 : i32
    %dma_wait3A_189 = tpu.memref_slice %arg6[%dma_wait3A_186, %dma_wait3A_187, %dma_wait3A_188] : memref<5x128x128xf32, #tpu.memory_space<vmem>> -> memref<1x128x128xf32, #tpu.memory_space<vmem>>
    %dma_wait3A_190 = tpu.memref_squeeze %dma_wait3A_189 : memref<1x128x128xf32, #tpu.memory_space<vmem>> -> memref<128x128xf32, #tpu.memory_space<vmem>>
    %dma_wait3A_191 = arith.constant 0 : i32
    %dma_wait3A_192 = arith.constant 0 : i32
    %dma_wait3A_193 = tpu.memref_slice %arg2[%dma_wait3A_191, %dma_wait3A_192] : memref<100000x128xf32, #tpu.memory_space<hbm>> -> memref<128x128xf32, #tpu.memory_space<hbm>>
    %dma_wait3A_194 = arith.constant 0 : i32
    %dma_wait3A_195 = arith.constant 0 : i32
    %dma_wait3A_196 = tpu.memref_slice %arg6[%dma_wait3A_186, %dma_wait3A_194, %dma_wait3A_195] : memref<5x128x128xf32, #tpu.memory_space<vmem>> -> memref<1x128x128xf32, #tpu.memory_space<vmem>>
    %dma_wait3A_197 = tpu.memref_squeeze %dma_wait3A_196 : memref<1x128x128xf32, #tpu.memory_space<vmem>> -> memref<128x128xf32, #tpu.memory_space<vmem>>
    %dma_wait3A_198 = arith.constant 0 : i32
    %dma_wait3A_199 = arith.constant 0 : i32
    %dma_wait3A_200 = tpu.memref_slice %arg2[%dma_wait3A_198, %dma_wait3A_199] : memref<100000x128xf32, #tpu.memory_space<hbm>> -> memref<128x128xf32, #tpu.memory_space<hbm>>
    tpu.wait_dma2 semaphore(%arg11 : memref<!tpu.dma_semaphore, #tpu.memory_space<semaphore_mem>>) src(%dma_wait3A_200 : memref<128x128xf32, #tpu.memory_space<hbm>>) dst(%dma_wait3A_197 : memref<128x128xf32, #tpu.memory_space<vmem>>)
    %dma_start3A_201 = arith.constant 3 : i32
    %dma_start3A_202 = arith.constant 0 : i32
    %dma_start3A_203 = arith.constant 0 : i32
    %dma_start3A_204 = tpu.memref_slice %arg6[%dma_start3A_201, %dma_start3A_202, %dma_start3A_203] : memref<5x128x128xf32, #tpu.memory_space<vmem>> -> memref<1x128x128xf32, #tpu.memory_space<vmem>>
    %dma_start3A_205 = tpu.memref_squeeze %dma_start3A_204 : memref<1x128x128xf32, #tpu.memory_space<vmem>> -> memref<128x128xf32, #tpu.memory_space<vmem>>
    %dma_start3A_206 = arith.constant 0 : i32
    %dma_start3A_207 = arith.constant 0 : i32
    %dma_start3A_208 = tpu.memref_slice %arg7[%arg1, %dma_start3A_206, %dma_start3A_207] : memref<16x128x128xf32, #tpu.memory_space<vmem_shared>> -> memref<1x128x128xf32, #tpu.memory_space<vmem_shared>>
    %dma_start3A_209 = tpu.memref_squeeze %dma_start3A_208 : memref<1x128x128xf32, #tpu.memory_space<vmem_shared>> -> memref<128x128xf32, #tpu.memory_space<vmem_shared>>
    %dma_start3A_210 = arith.constant 0 : i32
    %dma_start3A_211 = arith.constant 0 : i32
    %dma_start3A_212 = tpu.memref_slice %arg7[%arg1, %dma_start3A_210, %dma_start3A_211] : memref<16x128x128xf32, #tpu.memory_space<vmem_shared>> -> memref<1x128x128xf32, #tpu.memory_space<vmem_shared>>
    %dma_start3A_213 = tpu.memref_squeeze %dma_start3A_212 : memref<1x128x128xf32, #tpu.memory_space<vmem_shared>> -> memref<128x128xf32, #tpu.memory_space<vmem_shared>>
    %dma_start3A_214 = arith.constant 0 : i32
    %dma_start3A_215 = arith.constant 0 : i32
    %dma_start3A_216 = tpu.memref_slice %arg6[%dma_start3A_201, %dma_start3A_214, %dma_start3A_215] : memref<5x128x128xf32, #tpu.memory_space<vmem>> -> memref<1x128x128xf32, #tpu.memory_space<vmem>>
    %dma_start3A_217 = tpu.memref_squeeze %dma_start3A_216 : memref<1x128x128xf32, #tpu.memory_space<vmem>> -> memref<128x128xf32, #tpu.memory_space<vmem>>
    tpu.enqueue_dma source(%dma_start3A_217 : memref<128x128xf32, #tpu.memory_space<vmem>>) target(%dma_start3A_213 : memref<128x128xf32, #tpu.memory_space<vmem_shared>>) target_semaphore(%arg16 : memref<!tpu.dma_semaphore, #tpu.memory_space<semaphore_mem>>)
    %dma_wait3A_218 = arith.constant 1 : i32
    %dma_wait3A_219 = arith.constant 0 : i32
    %dma_wait3A_220 = arith.constant 0 : i32
    %dma_wait3A_221 = tpu.memref_slice %arg6[%dma_wait3A_218, %dma_wait3A_219, %dma_wait3A_220] : memref<5x128x128xf32, #tpu.memory_space<vmem>> -> memref<1x128x128xf32, #tpu.memory_space<vmem>>
    %dma_wait3A_222 = tpu.memref_squeeze %dma_wait3A_221 : memref<1x128x128xf32, #tpu.memory_space<vmem>> -> memref<128x128xf32, #tpu.memory_space<vmem>>
    %dma_wait3A_223 = arith.constant 0 : i32
    %dma_wait3A_224 = arith.constant 0 : i32
    %dma_wait3A_225 = tpu.memref_slice %arg7[%arg1, %dma_wait3A_223, %dma_wait3A_224] : memref<16x128x128xf32, #tpu.memory_space<vmem_shared>> -> memref<1x128x128xf32, #tpu.memory_space<vmem_shared>>
    %dma_wait3A_226 = tpu.memref_squeeze %dma_wait3A_225 : memref<1x128x128xf32, #tpu.memory_space<vmem_shared>> -> memref<128x128xf32, #tpu.memory_space<vmem_shared>>
    %dma_wait3A_227 = arith.constant 0 : i32
    %dma_wait3A_228 = arith.constant 0 : i32
    %dma_wait3A_229 = tpu.memref_slice %arg7[%arg1, %dma_wait3A_227, %dma_wait3A_228] : memref<16x128x128xf32, #tpu.memory_space<vmem_shared>> -> memref<1x128x128xf32, #tpu.memory_space<vmem_shared>>
    %dma_wait3A_230 = tpu.memref_squeeze %dma_wait3A_229 : memref<1x128x128xf32, #tpu.memory_space<vmem_shared>> -> memref<128x128xf32, #tpu.memory_space<vmem_shared>>
    %dma_wait3A_231 = arith.constant 0 : i32
    %dma_wait3A_232 = arith.constant 0 : i32
    %dma_wait3A_233 = tpu.memref_slice %arg6[%dma_wait3A_218, %dma_wait3A_231, %dma_wait3A_232] : memref<5x128x128xf32, #tpu.memory_space<vmem>> -> memref<1x128x128xf32, #tpu.memory_space<vmem>>
    %dma_wait3A_234 = tpu.memref_squeeze %dma_wait3A_233 : memref<1x128x128xf32, #tpu.memory_space<vmem>> -> memref<128x128xf32, #tpu.memory_space<vmem>>
    tpu.wait_dma2 semaphore(%arg14 : memref<!tpu.dma_semaphore, #tpu.memory_space<semaphore_mem>>) src(%dma_wait3A_234 : memref<128x128xf32, #tpu.memory_space<vmem>>) dst(%dma_wait3A_230 : memref<128x128xf32, #tpu.memory_space<vmem_shared>>)
    %dma_start3A_235 = arith.constant 6 : i32
    %dma_start3A_236 = arith.constant 1 : i32
    %dma_start3A_237 = arith.constant 0 : i32
    %dma_start3A_238 = arith.constant 0 : i32
    %dma_start3A_239 = tpu.memref_slice %arg6[%dma_start3A_236, %dma_start3A_237, %dma_start3A_238] : memref<5x128x128xf32, #tpu.memory_space<vmem>> -> memref<1x128x128xf32, #tpu.memory_space<vmem>>
    %dma_start3A_240 = tpu.memref_squeeze %dma_start3A_239 : memref<1x128x128xf32, #tpu.memory_space<vmem>> -> memref<128x128xf32, #tpu.memory_space<vmem>>
    %dma_start3A_241 = arith.constant 0 : i32
    %dma_start3A_242 = tpu.memref_slice %arg5[%dma_start3A_235, %dma_start3A_241] : memref<200x128xi32, #tpu.memory_space<vmem>> -> memref<1x128xi32, #tpu.memory_space<vmem>>
    %dma_start3A_243 = tpu.memref_squeeze %dma_start3A_242 : memref<1x128xi32, #tpu.memory_space<vmem>> -> memref<128xi32, #tpu.memory_space<vmem>>
    %dma_start3A_244 = arith.constant 0 : i32
    %dma_start3A_245 = arith.constant 0 : i32
    %dma_start3A_246 = tpu.memref_slice %arg2[%dma_start3A_244, %dma_start3A_245] : memref<100000x128xf32, #tpu.memory_space<hbm>> -> memref<100000x128xf32, #tpu.memory_space<hbm>>
    tpu.enqueue_indirect_dma source(%dma_start3A_246 : memref<100000x128xf32, #tpu.memory_space<hbm>>) target(%dma_start3A_240 : memref<128x128xf32, #tpu.memory_space<vmem>>) offsets(%dma_start3A_243 : memref<128xi32, #tpu.memory_space<vmem>>) semaphore(%arg9 : memref<!tpu.dma_semaphore, #tpu.memory_space<semaphore_mem>>)
    %dma_wait3A_247 = arith.constant 4 : i32
    %dma_wait3A_248 = arith.constant 0 : i32
    %dma_wait3A_249 = arith.constant 0 : i32
    %dma_wait3A_250 = tpu.memref_slice %arg6[%dma_wait3A_247, %dma_wait3A_248, %dma_wait3A_249] : memref<5x128x128xf32, #tpu.memory_space<vmem>> -> memref<1x128x128xf32, #tpu.memory_space<vmem>>
    %dma_wait3A_251 = tpu.memref_squeeze %dma_wait3A_250 : memref<1x128x128xf32, #tpu.memory_space<vmem>> -> memref<128x128xf32, #tpu.memory_space<vmem>>
    %dma_wait3A_252 = arith.constant 0 : i32
    %dma_wait3A_253 = arith.constant 0 : i32
    %dma_wait3A_254 = tpu.memref_slice %arg2[%dma_wait3A_252, %dma_wait3A_253] : memref<100000x128xf32, #tpu.memory_space<hbm>> -> memref<128x128xf32, #tpu.memory_space<hbm>>
    %dma_wait3A_255 = arith.constant 0 : i32
    %dma_wait3A_256 = arith.constant 0 : i32
    %dma_wait3A_257 = tpu.memref_slice %arg6[%dma_wait3A_247, %dma_wait3A_255, %dma_wait3A_256] : memref<5x128x128xf32, #tpu.memory_space<vmem>> -> memref<1x128x128xf32, #tpu.memory_space<vmem>>
    %dma_wait3A_258 = tpu.memref_squeeze %dma_wait3A_257 : memref<1x128x128xf32, #tpu.memory_space<vmem>> -> memref<128x128xf32, #tpu.memory_space<vmem>>
    %dma_wait3A_259 = arith.constant 0 : i32
    %dma_wait3A_260 = arith.constant 0 : i32
    %dma_wait3A_261 = tpu.memref_slice %arg2[%dma_wait3A_259, %dma_wait3A_260] : memref<100000x128xf32, #tpu.memory_space<hbm>> -> memref<128x128xf32, #tpu.memory_space<hbm>>
    tpu.wait_dma2 semaphore(%arg12 : memref<!tpu.dma_semaphore, #tpu.memory_space<semaphore_mem>>) src(%dma_wait3A_261 : memref<128x128xf32, #tpu.memory_space<hbm>>) dst(%dma_wait3A_258 : memref<128x128xf32, #tpu.memory_space<vmem>>)
    %dma_start3A_262 = arith.constant 4 : i32
    %dma_start3A_263 = arith.constant 0 : i32
    %dma_start3A_264 = arith.constant 0 : i32
    %dma_start3A_265 = tpu.memref_slice %arg6[%dma_start3A_262, %dma_start3A_263, %dma_start3A_264] : memref<5x128x128xf32, #tpu.memory_space<vmem>> -> memref<1x128x128xf32, #tpu.memory_space<vmem>>
    %dma_start3A_266 = tpu.memref_squeeze %dma_start3A_265 : memref<1x128x128xf32, #tpu.memory_space<vmem>> -> memref<128x128xf32, #tpu.memory_space<vmem>>
    %dma_start3A_267 = arith.constant 0 : i32
    %dma_start3A_268 = arith.constant 0 : i32
    %dma_start3A_269 = tpu.memref_slice %arg7[%arg1, %dma_start3A_267, %dma_start3A_268] : memref<16x128x128xf32, #tpu.memory_space<vmem_shared>> -> memref<1x128x128xf32, #tpu.memory_space<vmem_shared>>
    %dma_start3A_270 = tpu.memref_squeeze %dma_start3A_269 : memref<1x128x128xf32, #tpu.memory_space<vmem_shared>> -> memref<128x128xf32, #tpu.memory_space<vmem_shared>>
    %dma_start3A_271 = arith.constant 0 : i32
    %dma_start3A_272 = arith.constant 0 : i32
    %dma_start3A_273 = tpu.memref_slice %arg7[%arg1, %dma_start3A_271, %dma_start3A_272] : memref<16x128x128xf32, #tpu.memory_space<vmem_shared>> -> memref<1x128x128xf32, #tpu.memory_space<vmem_shared>>
    %dma_start3A_274 = tpu.memref_squeeze %dma_start3A_273 : memref<1x128x128xf32, #tpu.memory_space<vmem_shared>> -> memref<128x128xf32, #tpu.memory_space<vmem_shared>>
    %dma_start3A_275 = arith.constant 0 : i32
    %dma_start3A_276 = arith.constant 0 : i32
    %dma_start3A_277 = tpu.memref_slice %arg6[%dma_start3A_262, %dma_start3A_275, %dma_start3A_276] : memref<5x128x128xf32, #tpu.memory_space<vmem>> -> memref<1x128x128xf32, #tpu.memory_space<vmem>>
    %dma_start3A_278 = tpu.memref_squeeze %dma_start3A_277 : memref<1x128x128xf32, #tpu.memory_space<vmem>> -> memref<128x128xf32, #tpu.memory_space<vmem>>
    tpu.enqueue_dma source(%dma_start3A_278 : memref<128x128xf32, #tpu.memory_space<vmem>>) target(%dma_start3A_274 : memref<128x128xf32, #tpu.memory_space<vmem_shared>>) target_semaphore(%arg17 : memref<!tpu.dma_semaphore, #tpu.memory_space<semaphore_mem>>)
    %dma_wait3A_279 = arith.constant 2 : i32
    %dma_wait3A_280 = arith.constant 0 : i32
    %dma_wait3A_281 = arith.constant 0 : i32
    %dma_wait3A_282 = tpu.memref_slice %arg6[%dma_wait3A_279, %dma_wait3A_280, %dma_wait3A_281] : memref<5x128x128xf32, #tpu.memory_space<vmem>> -> memref<1x128x128xf32, #tpu.memory_space<vmem>>
    %dma_wait3A_283 = tpu.memref_squeeze %dma_wait3A_282 : memref<1x128x128xf32, #tpu.memory_space<vmem>> -> memref<128x128xf32, #tpu.memory_space<vmem>>
    %dma_wait3A_284 = arith.constant 0 : i32
    %dma_wait3A_285 = arith.constant 0 : i32
    %dma_wait3A_286 = tpu.memref_slice %arg7[%arg1, %dma_wait3A_284, %dma_wait3A_285] : memref<16x128x128xf32, #tpu.memory_space<vmem_shared>> -> memref<1x128x128xf32, #tpu.memory_space<vmem_shared>>
    %dma_wait3A_287 = tpu.memref_squeeze %dma_wait3A_286 : memref<1x128x128xf32, #tpu.memory_space<vmem_shared>> -> memref<128x128xf32, #tpu.memory_space<vmem_shared>>
    %dma_wait3A_288 = arith.constant 0 : i32
    %dma_wait3A_289 = arith.constant 0 : i32
    %dma_wait3A_290 = tpu.memref_slice %arg7[%arg1, %dma_wait3A_288, %dma_wait3A_289] : memref<16x128x128xf32, #tpu.memory_space<vmem_shared>> -> memref<1x128x128xf32, #tpu.memory_space<vmem_shared>>
    %dma_wait3A_291 = tpu.memref_squeeze %dma_wait3A_290 : memref<1x128x128xf32, #tpu.memory_space<vmem_shared>> -> memref<128x128xf32, #tpu.memory_space<vmem_shared>>
    %dma_wait3A_292 = arith.constant 0 : i32
    %dma_wait3A_293 = arith.constant 0 : i32
    %dma_wait3A_294 = tpu.memref_slice %arg6[%dma_wait3A_279, %dma_wait3A_292, %dma_wait3A_293] : memref<5x128x128xf32, #tpu.memory_space<vmem>> -> memref<1x128x128xf32, #tpu.memory_space<vmem>>
    %dma_wait3A_295 = tpu.memref_squeeze %dma_wait3A_294 : memref<1x128x128xf32, #tpu.memory_space<vmem>> -> memref<128x128xf32, #tpu.memory_space<vmem>>
    tpu.wait_dma2 semaphore(%arg15 : memref<!tpu.dma_semaphore, #tpu.memory_space<semaphore_mem>>) src(%dma_wait3A_295 : memref<128x128xf32, #tpu.memory_space<vmem>>) dst(%dma_wait3A_291 : memref<128x128xf32, #tpu.memory_space<vmem_shared>>)
    %dma_start3A_296 = arith.constant 7 : i32
    %dma_start3A_297 = arith.constant 2 : i32
    %dma_start3A_298 = arith.constant 0 : i32
    %dma_start3A_299 = arith.constant 0 : i32
    %dma_start3A_300 = tpu.memref_slice %arg6[%dma_start3A_297, %dma_start3A_298, %dma_start3A_299] : memref<5x128x128xf32, #tpu.memory_space<vmem>> -> memref<1x128x128xf32, #tpu.memory_space<vmem>>
    %dma_start3A_301 = tpu.memref_squeeze %dma_start3A_300 : memref<1x128x128xf32, #tpu.memory_space<vmem>> -> memref<128x128xf32, #tpu.memory_space<vmem>>
    %dma_start3A_302 = arith.constant 0 : i32
    %dma_start3A_303 = tpu.memref_slice %arg5[%dma_start3A_296, %dma_start3A_302] : memref<200x128xi32, #tpu.memory_space<vmem>> -> memref<1x128xi32, #tpu.memory_space<vmem>>
    %dma_start3A_304 = tpu.memref_squeeze %dma_start3A_303 : memref<1x128xi32, #tpu.memory_space<vmem>> -> memref<128xi32, #tpu.memory_space<vmem>>
    %dma_start3A_305 = arith.constant 0 : i32
    %dma_start3A_306 = arith.constant 0 : i32
    %dma_start3A_307 = tpu.memref_slice %arg2[%dma_start3A_305, %dma_start3A_306] : memref<100000x128xf32, #tpu.memory_space<hbm>> -> memref<100000x128xf32, #tpu.memory_space<hbm>>
    tpu.enqueue_indirect_dma source(%dma_start3A_307 : memref<100000x128xf32, #tpu.memory_space<hbm>>) target(%dma_start3A_301 : memref<128x128xf32, #tpu.memory_space<vmem>>) offsets(%dma_start3A_304 : memref<128xi32, #tpu.memory_space<vmem>>) semaphore(%arg10 : memref<!tpu.dma_semaphore, #tpu.memory_space<semaphore_mem>>)
    %scan3A = arith.constant 0 : i32
    %scan3A_308 = arith.constant 1 : i32
    %scan3A_309 = arith.constant 38 : i32
    %scan3A_310 = arith.addi %scan3A_308, %scan3A_309 : i32
    %scan3A_311 = arith.constant 1 : i32
    scf.for %scan3A_616 = %scan3A_308 to %scan3A_310 step %scan3A_311  : i32 {
      %mul3A_617 = arith.constant 5 : i32
      %mul3A_618 = arith.muli %scan3A_616, %mul3A_617 : i32
      %add3A_619 = arith.constant 0 : i32
      %add3A_620 = arith.addi %mul3A_618, %add3A_619 : i32
      %dma_wait3A_621 = arith.constant 0 : i32
      %dma_wait3A_622 = arith.constant 0 : i32
      %dma_wait3A_623 = arith.constant 0 : i32
      %dma_wait3A_624 = tpu.memref_slice %arg6[%dma_wait3A_621, %dma_wait3A_622, %dma_wait3A_623] : memref<5x128x128xf32, #tpu.memory_space<vmem>> -> memref<1x128x128xf32, #tpu.memory_space<vmem>>
      %dma_wait3A_625 = tpu.memref_squeeze %dma_wait3A_624 : memref<1x128x128xf32, #tpu.memory_space<vmem>> -> memref<128x128xf32, #tpu.memory_space<vmem>>
      %dma_wait3A_626 = arith.constant 0 : i32
      %dma_wait3A_627 = arith.constant 0 : i32
      %dma_wait3A_628 = tpu.memref_slice %arg2[%dma_wait3A_626, %dma_wait3A_627] : memref<100000x128xf32, #tpu.memory_space<hbm>> -> memref<128x128xf32, #tpu.memory_space<hbm>>
      %dma_wait3A_629 = arith.constant 0 : i32
      %dma_wait3A_630 = arith.constant 0 : i32
      %dma_wait3A_631 = tpu.memref_slice %arg6[%dma_wait3A_621, %dma_wait3A_629, %dma_wait3A_630] : memref<5x128x128xf32, #tpu.memory_space<vmem>> -> memref<1x128x128xf32, #tpu.memory_space<vmem>>
      %dma_wait3A_632 = tpu.memref_squeeze %dma_wait3A_631 : memref<1x128x128xf32, #tpu.memory_space<vmem>> -> memref<128x128xf32, #tpu.memory_space<vmem>>
      %dma_wait3A_633 = arith.constant 0 : i32
      %dma_wait3A_634 = arith.constant 0 : i32
      %dma_wait3A_635 = tpu.memref_slice %arg2[%dma_wait3A_633, %dma_wait3A_634] : memref<100000x128xf32, #tpu.memory_space<hbm>> -> memref<128x128xf32, #tpu.memory_space<hbm>>
      tpu.wait_dma2 semaphore(%arg8 : memref<!tpu.dma_semaphore, #tpu.memory_space<semaphore_mem>>) src(%dma_wait3A_635 : memref<128x128xf32, #tpu.memory_space<hbm>>) dst(%dma_wait3A_632 : memref<128x128xf32, #tpu.memory_space<vmem>>)
      %dma_start3A_636 = arith.constant 0 : i32
      %dma_start3A_637 = arith.constant 0 : i32
      %dma_start3A_638 = arith.constant 0 : i32
      %dma_start3A_639 = tpu.memref_slice %arg6[%dma_start3A_636, %dma_start3A_637, %dma_start3A_638] : memref<5x128x128xf32, #tpu.memory_space<vmem>> -> memref<1x128x128xf32, #tpu.memory_space<vmem>>
      %dma_start3A_640 = tpu.memref_squeeze %dma_start3A_639 : memref<1x128x128xf32, #tpu.memory_space<vmem>> -> memref<128x128xf32, #tpu.memory_space<vmem>>
      %dma_start3A_641 = arith.constant 0 : i32
      %dma_start3A_642 = arith.constant 0 : i32
      %dma_start3A_643 = tpu.memref_slice %arg7[%arg1, %dma_start3A_641, %dma_start3A_642] : memref<16x128x128xf32, #tpu.memory_space<vmem_shared>> -> memref<1x128x128xf32, #tpu.memory_space<vmem_shared>>
      %dma_start3A_644 = tpu.memref_squeeze %dma_start3A_643 : memref<1x128x128xf32, #tpu.memory_space<vmem_shared>> -> memref<128x128xf32, #tpu.memory_space<vmem_shared>>
      %dma_start3A_645 = arith.constant 0 : i32
      %dma_start3A_646 = arith.constant 0 : i32
      %dma_start3A_647 = tpu.memref_slice %arg7[%arg1, %dma_start3A_645, %dma_start3A_646] : memref<16x128x128xf32, #tpu.memory_space<vmem_shared>> -> memref<1x128x128xf32, #tpu.memory_space<vmem_shared>>
      %dma_start3A_648 = tpu.memref_squeeze %dma_start3A_647 : memref<1x128x128xf32, #tpu.memory_space<vmem_shared>> -> memref<128x128xf32, #tpu.memory_space<vmem_shared>>
      %dma_start3A_649 = arith.constant 0 : i32
      %dma_start3A_650 = arith.constant 0 : i32
      %dma_start3A_651 = tpu.memref_slice %arg6[%dma_start3A_636, %dma_start3A_649, %dma_start3A_650] : memref<5x128x128xf32, #tpu.memory_space<vmem>> -> memref<1x128x128xf32, #tpu.memory_space<vmem>>
      %dma_start3A_652 = tpu.memref_squeeze %dma_start3A_651 : memref<1x128x128xf32, #tpu.memory_space<vmem>> -> memref<128x128xf32, #tpu.memory_space<vmem>>
      tpu.enqueue_dma source(%dma_start3A_652 : memref<128x128xf32, #tpu.memory_space<vmem>>) target(%dma_start3A_648 : memref<128x128xf32, #tpu.memory_space<vmem_shared>>) target_semaphore(%arg13 : memref<!tpu.dma_semaphore, #tpu.memory_space<semaphore_mem>>)
      %dma_wait3A_653 = arith.constant 3 : i32
      %dma_wait3A_654 = arith.constant 0 : i32
      %dma_wait3A_655 = arith.constant 0 : i32
      %dma_wait3A_656 = tpu.memref_slice %arg6[%dma_wait3A_653, %dma_wait3A_654, %dma_wait3A_655] : memref<5x128x128xf32, #tpu.memory_space<vmem>> -> memref<1x128x128xf32, #tpu.memory_space<vmem>>
      %dma_wait3A_657 = tpu.memref_squeeze %dma_wait3A_656 : memref<1x128x128xf32, #tpu.memory_space<vmem>> -> memref<128x128xf32, #tpu.memory_space<vmem>>
      %dma_wait3A_658 = arith.constant 0 : i32
      %dma_wait3A_659 = arith.constant 0 : i32
      %dma_wait3A_660 = tpu.memref_slice %arg7[%arg1, %dma_wait3A_658, %dma_wait3A_659] : memref<16x128x128xf32, #tpu.memory_space<vmem_shared>> -> memref<1x128x128xf32, #tpu.memory_space<vmem_shared>>
      %dma_wait3A_661 = tpu.memref_squeeze %dma_wait3A_660 : memref<1x128x128xf32, #tpu.memory_space<vmem_shared>> -> memref<128x128xf32, #tpu.memory_space<vmem_shared>>
      %dma_wait3A_662 = arith.constant 0 : i32
      %dma_wait3A_663 = arith.constant 0 : i32
      %dma_wait3A_664 = tpu.memref_slice %arg7[%arg1, %dma_wait3A_662, %dma_wait3A_663] : memref<16x128x128xf32, #tpu.memory_space<vmem_shared>> -> memref<1x128x128xf32, #tpu.memory_space<vmem_shared>>
      %dma_wait3A_665 = tpu.memref_squeeze %dma_wait3A_664 : memref<1x128x128xf32, #tpu.memory_space<vmem_shared>> -> memref<128x128xf32, #tpu.memory_space<vmem_shared>>
      %dma_wait3A_666 = arith.constant 0 : i32
      %dma_wait3A_667 = arith.constant 0 : i32
      %dma_wait3A_668 = tpu.memref_slice %arg6[%dma_wait3A_653, %dma_wait3A_666, %dma_wait3A_667] : memref<5x128x128xf32, #tpu.memory_space<vmem>> -> memref<1x128x128xf32, #tpu.memory_space<vmem>>
      %dma_wait3A_669 = tpu.memref_squeeze %dma_wait3A_668 : memref<1x128x128xf32, #tpu.memory_space<vmem>> -> memref<128x128xf32, #tpu.memory_space<vmem>>
      tpu.wait_dma2 semaphore(%arg16 : memref<!tpu.dma_semaphore, #tpu.memory_space<semaphore_mem>>) src(%dma_wait3A_669 : memref<128x128xf32, #tpu.memory_space<vmem>>) dst(%dma_wait3A_665 : memref<128x128xf32, #tpu.memory_space<vmem_shared>>)
      %add3A_670 = arith.constant 5 : i32
      %add3A_671 = arith.addi %add3A_620, %add3A_670 : i32
      %sub3A = arith.constant 2 : i32
      %sub3A_672 = arith.subi %add3A_671, %sub3A : i32
      %dma_start3A_673 = arith.constant 3 : i32
      %dma_start3A_674 = arith.constant 0 : i32
      %dma_start3A_675 = arith.constant 0 : i32
      %dma_start3A_676 = tpu.memref_slice %arg6[%dma_start3A_673, %dma_start3A_674, %dma_start3A_675] : memref<5x128x128xf32, #tpu.memory_space<vmem>> -> memref<1x128x128xf32, #tpu.memory_space<vmem>>
      %dma_start3A_677 = tpu.memref_squeeze %dma_start3A_676 : memref<1x128x128xf32, #tpu.memory_space<vmem>> -> memref<128x128xf32, #tpu.memory_space<vmem>>
      %dma_start3A_678 = arith.constant 0 : i32
      %dma_start3A_679 = tpu.memref_slice %arg5[%sub3A_672, %dma_start3A_678] : memref<200x128xi32, #tpu.memory_space<vmem>> -> memref<1x128xi32, #tpu.memory_space<vmem>>
      %dma_start3A_680 = tpu.memref_squeeze %dma_start3A_679 : memref<1x128xi32, #tpu.memory_space<vmem>> -> memref<128xi32, #tpu.memory_space<vmem>>
      %dma_start3A_681 = arith.constant 0 : i32
      %dma_start3A_682 = arith.constant 0 : i32
      %dma_start3A_683 = tpu.memref_slice %arg2[%dma_start3A_681, %dma_start3A_682] : memref<100000x128xf32, #tpu.memory_space<hbm>> -> memref<100000x128xf32, #tpu.memory_space<hbm>>
      tpu.enqueue_indirect_dma source(%dma_start3A_683 : memref<100000x128xf32, #tpu.memory_space<hbm>>) target(%dma_start3A_677 : memref<128x128xf32, #tpu.memory_space<vmem>>) offsets(%dma_start3A_680 : memref<128xi32, #tpu.memory_space<vmem>>) semaphore(%arg11 : memref<!tpu.dma_semaphore, #tpu.memory_space<semaphore_mem>>)
      %mul3A_684 = arith.constant 5 : i32
      %mul3A_685 = arith.muli %scan3A_616, %mul3A_684 : i32
      %add3A_686 = arith.constant 1 : i32
      %add3A_687 = arith.addi %mul3A_685, %add3A_686 : i32
      %dma_wait3A_688 = arith.constant 1 : i32
      %dma_wait3A_689 = arith.constant 0 : i32
      %dma_wait3A_690 = arith.constant 0 : i32
      %dma_wait3A_691 = tpu.memref_slice %arg6[%dma_wait3A_688, %dma_wait3A_689, %dma_wait3A_690] : memref<5x128x128xf32, #tpu.memory_space<vmem>> -> memref<1x128x128xf32, #tpu.memory_space<vmem>>
      %dma_wait3A_692 = tpu.memref_squeeze %dma_wait3A_691 : memref<1x128x128xf32, #tpu.memory_space<vmem>> -> memref<128x128xf32, #tpu.memory_space<vmem>>
      %dma_wait3A_693 = arith.constant 0 : i32
      %dma_wait3A_694 = arith.constant 0 : i32
      %dma_wait3A_695 = tpu.memref_slice %arg2[%dma_wait3A_693, %dma_wait3A_694] : memref<100000x128xf32, #tpu.memory_space<hbm>> -> memref<128x128xf32, #tpu.memory_space<hbm>>
      %dma_wait3A_696 = arith.constant 0 : i32
      %dma_wait3A_697 = arith.constant 0 : i32
      %dma_wait3A_698 = tpu.memref_slice %arg6[%dma_wait3A_688, %dma_wait3A_696, %dma_wait3A_697] : memref<5x128x128xf32, #tpu.memory_space<vmem>> -> memref<1x128x128xf32, #tpu.memory_space<vmem>>
      %dma_wait3A_699 = tpu.memref_squeeze %dma_wait3A_698 : memref<1x128x128xf32, #tpu.memory_space<vmem>> -> memref<128x128xf32, #tpu.memory_space<vmem>>
      %dma_wait3A_700 = arith.constant 0 : i32
      %dma_wait3A_701 = arith.constant 0 : i32
      %dma_wait3A_702 = tpu.memref_slice %arg2[%dma_wait3A_700, %dma_wait3A_701] : memref<100000x128xf32, #tpu.memory_space<hbm>> -> memref<128x128xf32, #tpu.memory_space<hbm>>
      tpu.wait_dma2 semaphore(%arg9 : memref<!tpu.dma_semaphore, #tpu.memory_space<semaphore_mem>>) src(%dma_wait3A_702 : memref<128x128xf32, #tpu.memory_space<hbm>>) dst(%dma_wait3A_699 : memref<128x128xf32, #tpu.memory_space<vmem>>)
      %dma_start3A_703 = arith.constant 1 : i32
      %dma_start3A_704 = arith.constant 0 : i32
      %dma_start3A_705 = arith.constant 0 : i32
      %dma_start3A_706 = tpu.memref_slice %arg6[%dma_start3A_703, %dma_start3A_704, %dma_start3A_705] : memref<5x128x128xf32, #tpu.memory_space<vmem>> -> memref<1x128x128xf32, #tpu.memory_space<vmem>>
      %dma_start3A_707 = tpu.memref_squeeze %dma_start3A_706 : memref<1x128x128xf32, #tpu.memory_space<vmem>> -> memref<128x128xf32, #tpu.memory_space<vmem>>
      %dma_start3A_708 = arith.constant 0 : i32
      %dma_start3A_709 = arith.constant 0 : i32
      %dma_start3A_710 = tpu.memref_slice %arg7[%arg1, %dma_start3A_708, %dma_start3A_709] : memref<16x128x128xf32, #tpu.memory_space<vmem_shared>> -> memref<1x128x128xf32, #tpu.memory_space<vmem_shared>>
      %dma_start3A_711 = tpu.memref_squeeze %dma_start3A_710 : memref<1x128x128xf32, #tpu.memory_space<vmem_shared>> -> memref<128x128xf32, #tpu.memory_space<vmem_shared>>
      %dma_start3A_712 = arith.constant 0 : i32
      %dma_start3A_713 = arith.constant 0 : i32
      %dma_start3A_714 = tpu.memref_slice %arg7[%arg1, %dma_start3A_712, %dma_start3A_713] : memref<16x128x128xf32, #tpu.memory_space<vmem_shared>> -> memref<1x128x128xf32, #tpu.memory_space<vmem_shared>>
      %dma_start3A_715 = tpu.memref_squeeze %dma_start3A_714 : memref<1x128x128xf32, #tpu.memory_space<vmem_shared>> -> memref<128x128xf32, #tpu.memory_space<vmem_shared>>
      %dma_start3A_716 = arith.constant 0 : i32
      %dma_start3A_717 = arith.constant 0 : i32
      %dma_start3A_718 = tpu.memref_slice %arg6[%dma_start3A_703, %dma_start3A_716, %dma_start3A_717] : memref<5x128x128xf32, #tpu.memory_space<vmem>> -> memref<1x128x128xf32, #tpu.memory_space<vmem>>
      %dma_start3A_719 = tpu.memref_squeeze %dma_start3A_718 : memref<1x128x128xf32, #tpu.memory_space<vmem>> -> memref<128x128xf32, #tpu.memory_space<vmem>>
      tpu.enqueue_dma source(%dma_start3A_719 : memref<128x128xf32, #tpu.memory_space<vmem>>) target(%dma_start3A_715 : memref<128x128xf32, #tpu.memory_space<vmem_shared>>) target_semaphore(%arg14 : memref<!tpu.dma_semaphore, #tpu.memory_space<semaphore_mem>>)
      %dma_wait3A_720 = arith.constant 4 : i32
      %dma_wait3A_721 = arith.constant 0 : i32
      %dma_wait3A_722 = arith.constant 0 : i32
      %dma_wait3A_723 = tpu.memref_slice %arg6[%dma_wait3A_720, %dma_wait3A_721, %dma_wait3A_722] : memref<5x128x128xf32, #tpu.memory_space<vmem>> -> memref<1x128x128xf32, #tpu.memory_space<vmem>>
      %dma_wait3A_724 = tpu.memref_squeeze %dma_wait3A_723 : memref<1x128x128xf32, #tpu.memory_space<vmem>> -> memref<128x128xf32, #tpu.memory_space<vmem>>
      %dma_wait3A_725 = arith.constant 0 : i32
      %dma_wait3A_726 = arith.constant 0 : i32
      %dma_wait3A_727 = tpu.memref_slice %arg7[%arg1, %dma_wait3A_725, %dma_wait3A_726] : memref<16x128x128xf32, #tpu.memory_space<vmem_shared>> -> memref<1x128x128xf32, #tpu.memory_space<vmem_shared>>
      %dma_wait3A_728 = tpu.memref_squeeze %dma_wait3A_727 : memref<1x128x128xf32, #tpu.memory_space<vmem_shared>> -> memref<128x128xf32, #tpu.memory_space<vmem_shared>>
      %dma_wait3A_729 = arith.constant 0 : i32
      %dma_wait3A_730 = arith.constant 0 : i32
      %dma_wait3A_731 = tpu.memref_slice %arg7[%arg1, %dma_wait3A_729, %dma_wait3A_730] : memref<16x128x128xf32, #tpu.memory_space<vmem_shared>> -> memref<1x128x128xf32, #tpu.memory_space<vmem_shared>>
      %dma_wait3A_732 = tpu.memref_squeeze %dma_wait3A_731 : memref<1x128x128xf32, #tpu.memory_space<vmem_shared>> -> memref<128x128xf32, #tpu.memory_space<vmem_shared>>
      %dma_wait3A_733 = arith.constant 0 : i32
      %dma_wait3A_734 = arith.constant 0 : i32
      %dma_wait3A_735 = tpu.memref_slice %arg6[%dma_wait3A_720, %dma_wait3A_733, %dma_wait3A_734] : memref<5x128x128xf32, #tpu.memory_space<vmem>> -> memref<1x128x128xf32, #tpu.memory_space<vmem>>
      %dma_wait3A_736 = tpu.memref_squeeze %dma_wait3A_735 : memref<1x128x128xf32, #tpu.memory_space<vmem>> -> memref<128x128xf32, #tpu.memory_space<vmem>>
      tpu.wait_dma2 semaphore(%arg17 : memref<!tpu.dma_semaphore, #tpu.memory_space<semaphore_mem>>) src(%dma_wait3A_736 : memref<128x128xf32, #tpu.memory_space<vmem>>) dst(%dma_wait3A_732 : memref<128x128xf32, #tpu.memory_space<vmem_shared>>)
      %add3A_737 = arith.constant 5 : i32
      %add3A_738 = arith.addi %add3A_687, %add3A_737 : i32
      %sub3A_739 = arith.constant 2 : i32
      %sub3A_740 = arith.subi %add3A_738, %sub3A_739 : i32
      %dma_start3A_741 = arith.constant 4 : i32
      %dma_start3A_742 = arith.constant 0 : i32
      %dma_start3A_743 = arith.constant 0 : i32
      %dma_start3A_744 = tpu.memref_slice %arg6[%dma_start3A_741, %dma_start3A_742, %dma_start3A_743] : memref<5x128x128xf32, #tpu.memory_space<vmem>> -> memref<1x128x128xf32, #tpu.memory_space<vmem>>
      %dma_start3A_745 = tpu.memref_squeeze %dma_start3A_744 : memref<1x128x128xf32, #tpu.memory_space<vmem>> -> memref<128x128xf32, #tpu.memory_space<vmem>>
      %dma_start3A_746 = arith.constant 0 : i32
      %dma_start3A_747 = tpu.memref_slice %arg5[%sub3A_740, %dma_start3A_746] : memref<200x128xi32, #tpu.memory_space<vmem>> -> memref<1x128xi32, #tpu.memory_space<vmem>>
      %dma_start3A_748 = tpu.memref_squeeze %dma_start3A_747 : memref<1x128xi32, #tpu.memory_space<vmem>> -> memref<128xi32, #tpu.memory_space<vmem>>
      %dma_start3A_749 = arith.constant 0 : i32
      %dma_start3A_750 = arith.constant 0 : i32
      %dma_start3A_751 = tpu.memref_slice %arg2[%dma_start3A_749, %dma_start3A_750] : memref<100000x128xf32, #tpu.memory_space<hbm>> -> memref<100000x128xf32, #tpu.memory_space<hbm>>
      tpu.enqueue_indirect_dma source(%dma_start3A_751 : memref<100000x128xf32, #tpu.memory_space<hbm>>) target(%dma_start3A_745 : memref<128x128xf32, #tpu.memory_space<vmem>>) offsets(%dma_start3A_748 : memref<128xi32, #tpu.memory_space<vmem>>) semaphore(%arg12 : memref<!tpu.dma_semaphore, #tpu.memory_space<semaphore_mem>>)
      %mul3A_752 = arith.constant 5 : i32
      %mul3A_753 = arith.muli %scan3A_616, %mul3A_752 : i32
      %add3A_754 = arith.constant 2 : i32
      %add3A_755 = arith.addi %mul3A_753, %add3A_754 : i32
      %dma_wait3A_756 = arith.constant 2 : i32
      %dma_wait3A_757 = arith.constant 0 : i32
      %dma_wait3A_758 = arith.constant 0 : i32
      %dma_wait3A_759 = tpu.memref_slice %arg6[%dma_wait3A_756, %dma_wait3A_757, %dma_wait3A_758] : memref<5x128x128xf32, #tpu.memory_space<vmem>> -> memref<1x128x128xf32, #tpu.memory_space<vmem>>
      %dma_wait3A_760 = tpu.memref_squeeze %dma_wait3A_759 : memref<1x128x128xf32, #tpu.memory_space<vmem>> -> memref<128x128xf32, #tpu.memory_space<vmem>>
      %dma_wait3A_761 = arith.constant 0 : i32
      %dma_wait3A_762 = arith.constant 0 : i32
      %dma_wait3A_763 = tpu.memref_slice %arg2[%dma_wait3A_761, %dma_wait3A_762] : memref<100000x128xf32, #tpu.memory_space<hbm>> -> memref<128x128xf32, #tpu.memory_space<hbm>>
      %dma_wait3A_764 = arith.constant 0 : i32
      %dma_wait3A_765 = arith.constant 0 : i32
      %dma_wait3A_766 = tpu.memref_slice %arg6[%dma_wait3A_756, %dma_wait3A_764, %dma_wait3A_765] : memref<5x128x128xf32, #tpu.memory_space<vmem>> -> memref<1x128x128xf32, #tpu.memory_space<vmem>>
      %dma_wait3A_767 = tpu.memref_squeeze %dma_wait3A_766 : memref<1x128x128xf32, #tpu.memory_space<vmem>> -> memref<128x128xf32, #tpu.memory_space<vmem>>
      %dma_wait3A_768 = arith.constant 0 : i32
      %dma_wait3A_769 = arith.constant 0 : i32
      %dma_wait3A_770 = tpu.memref_slice %arg2[%dma_wait3A_768, %dma_wait3A_769] : memref<100000x128xf32, #tpu.memory_space<hbm>> -> memref<128x128xf32, #tpu.memory_space<hbm>>
      tpu.wait_dma2 semaphore(%arg10 : memref<!tpu.dma_semaphore, #tpu.memory_space<semaphore_mem>>) src(%dma_wait3A_770 : memref<128x128xf32, #tpu.memory_space<hbm>>) dst(%dma_wait3A_767 : memref<128x128xf32, #tpu.memory_space<vmem>>)
      %dma_start3A_771 = arith.constant 2 : i32
      %dma_start3A_772 = arith.constant 0 : i32
      %dma_start3A_773 = arith.constant 0 : i32
      %dma_start3A_774 = tpu.memref_slice %arg6[%dma_start3A_771, %dma_start3A_772, %dma_start3A_773] : memref<5x128x128xf32, #tpu.memory_space<vmem>> -> memref<1x128x128xf32, #tpu.memory_space<vmem>>
      %dma_start3A_775 = tpu.memref_squeeze %dma_start3A_774 : memref<1x128x128xf32, #tpu.memory_space<vmem>> -> memref<128x128xf32, #tpu.memory_space<vmem>>
      %dma_start3A_776 = arith.constant 0 : i32
      %dma_start3A_777 = arith.constant 0 : i32
      %dma_start3A_778 = tpu.memref_slice %arg7[%arg1, %dma_start3A_776, %dma_start3A_777] : memref<16x128x128xf32, #tpu.memory_space<vmem_shared>> -> memref<1x128x128xf32, #tpu.memory_space<vmem_shared>>
      %dma_start3A_779 = tpu.memref_squeeze %dma_start3A_778 : memref<1x128x128xf32, #tpu.memory_space<vmem_shared>> -> memref<128x128xf32, #tpu.memory_space<vmem_shared>>
      %dma_start3A_780 = arith.constant 0 : i32
      %dma_start3A_781 = arith.constant 0 : i32
      %dma_start3A_782 = tpu.memref_slice %arg7[%arg1, %dma_start3A_780, %dma_start3A_781] : memref<16x128x128xf32, #tpu.memory_space<vmem_shared>> -> memref<1x128x128xf32, #tpu.memory_space<vmem_shared>>
      %dma_start3A_783 = tpu.memref_squeeze %dma_start3A_782 : memref<1x128x128xf32, #tpu.memory_space<vmem_shared>> -> memref<128x128xf32, #tpu.memory_space<vmem_shared>>
      %dma_start3A_784 = arith.constant 0 : i32
      %dma_start3A_785 = arith.constant 0 : i32
      %dma_start3A_786 = tpu.memref_slice %arg6[%dma_start3A_771, %dma_start3A_784, %dma_start3A_785] : memref<5x128x128xf32, #tpu.memory_space<vmem>> -> memref<1x128x128xf32, #tpu.memory_space<vmem>>
      %dma_start3A_787 = tpu.memref_squeeze %dma_start3A_786 : memref<1x128x128xf32, #tpu.memory_space<vmem>> -> memref<128x128xf32, #tpu.memory_space<vmem>>
      tpu.enqueue_dma source(%dma_start3A_787 : memref<128x128xf32, #tpu.memory_space<vmem>>) target(%dma_start3A_783 : memref<128x128xf32, #tpu.memory_space<vmem_shared>>) target_semaphore(%arg15 : memref<!tpu.dma_semaphore, #tpu.memory_space<semaphore_mem>>)
      %dma_wait3A_788 = arith.constant 0 : i32
      %dma_wait3A_789 = arith.constant 0 : i32
      %dma_wait3A_790 = arith.constant 0 : i32
      %dma_wait3A_791 = tpu.memref_slice %arg6[%dma_wait3A_788, %dma_wait3A_789, %dma_wait3A_790] : memref<5x128x128xf32, #tpu.memory_space<vmem>> -> memref<1x128x128xf32, #tpu.memory_space<vmem>>
      %dma_wait3A_792 = tpu.memref_squeeze %dma_wait3A_791 : memref<1x128x128xf32, #tpu.memory_space<vmem>> -> memref<128x128xf32, #tpu.memory_space<vmem>>
      %dma_wait3A_793 = arith.constant 0 : i32
      %dma_wait3A_794 = arith.constant 0 : i32
      %dma_wait3A_795 = tpu.memref_slice %arg7[%arg1, %dma_wait3A_793, %dma_wait3A_794] : memref<16x128x128xf32, #tpu.memory_space<vmem_shared>> -> memref<1x128x128xf32, #tpu.memory_space<vmem_shared>>
      %dma_wait3A_796 = tpu.memref_squeeze %dma_wait3A_795 : memref<1x128x128xf32, #tpu.memory_space<vmem_shared>> -> memref<128x128xf32, #tpu.memory_space<vmem_shared>>
      %dma_wait3A_797 = arith.constant 0 : i32
      %dma_wait3A_798 = arith.constant 0 : i32
      %dma_wait3A_799 = tpu.memref_slice %arg7[%arg1, %dma_wait3A_797, %dma_wait3A_798] : memref<16x128x128xf32, #tpu.memory_space<vmem_shared>> -> memref<1x128x128xf32, #tpu.memory_space<vmem_shared>>
      %dma_wait3A_800 = tpu.memref_squeeze %dma_wait3A_799 : memref<1x128x128xf32, #tpu.memory_space<vmem_shared>> -> memref<128x128xf32, #tpu.memory_space<vmem_shared>>
      %dma_wait3A_801 = arith.constant 0 : i32
      %dma_wait3A_802 = arith.constant 0 : i32
      %dma_wait3A_803 = tpu.memref_slice %arg6[%dma_wait3A_788, %dma_wait3A_801, %dma_wait3A_802] : memref<5x128x128xf32, #tpu.memory_space<vmem>> -> memref<1x128x128xf32, #tpu.memory_space<vmem>>
      %dma_wait3A_804 = tpu.memref_squeeze %dma_wait3A_803 : memref<1x128x128xf32, #tpu.memory_space<vmem>> -> memref<128x128xf32, #tpu.memory_space<vmem>>
      tpu.wait_dma2 semaphore(%arg13 : memref<!tpu.dma_semaphore, #tpu.memory_space<semaphore_mem>>) src(%dma_wait3A_804 : memref<128x128xf32, #tpu.memory_space<vmem>>) dst(%dma_wait3A_800 : memref<128x128xf32, #tpu.memory_space<vmem_shared>>)
      %add3A_805 = arith.constant 5 : i32
      %add3A_806 = arith.addi %add3A_755, %add3A_805 : i32
      %sub3A_807 = arith.constant 2 : i32
      %sub3A_808 = arith.subi %add3A_806, %sub3A_807 : i32
      %dma_start3A_809 = arith.constant 0 : i32
      %dma_start3A_810 = arith.constant 0 : i32
      %dma_start3A_811 = arith.constant 0 : i32
      %dma_start3A_812 = tpu.memref_slice %arg6[%dma_start3A_809, %dma_start3A_810, %dma_start3A_811] : memref<5x128x128xf32, #tpu.memory_space<vmem>> -> memref<1x128x128xf32, #tpu.memory_space<vmem>>
      %dma_start3A_813 = tpu.memref_squeeze %dma_start3A_812 : memref<1x128x128xf32, #tpu.memory_space<vmem>> -> memref<128x128xf32, #tpu.memory_space<vmem>>
      %dma_start3A_814 = arith.constant 0 : i32
      %dma_start3A_815 = tpu.memref_slice %arg5[%sub3A_808, %dma_start3A_814] : memref<200x128xi32, #tpu.memory_space<vmem>> -> memref<1x128xi32, #tpu.memory_space<vmem>>
      %dma_start3A_816 = tpu.memref_squeeze %dma_start3A_815 : memref<1x128xi32, #tpu.memory_space<vmem>> -> memref<128xi32, #tpu.memory_space<vmem>>
      %dma_start3A_817 = arith.constant 0 : i32
      %dma_start3A_818 = arith.constant 0 : i32
      %dma_start3A_819 = tpu.memref_slice %arg2[%dma_start3A_817, %dma_start3A_818] : memref<100000x128xf32, #tpu.memory_space<hbm>> -> memref<100000x128xf32, #tpu.memory_space<hbm>>
      tpu.enqueue_indirect_dma source(%dma_start3A_819 : memref<100000x128xf32, #tpu.memory_space<hbm>>) target(%dma_start3A_813 : memref<128x128xf32, #tpu.memory_space<vmem>>) offsets(%dma_start3A_816 : memref<128xi32, #tpu.memory_space<vmem>>) semaphore(%arg8 : memref<!tpu.dma_semaphore, #tpu.memory_space<semaphore_mem>>)
      %mul3A_820 = arith.constant 5 : i32
      %mul3A_821 = arith.muli %scan3A_616, %mul3A_820 : i32
      %add3A_822 = arith.constant 3 : i32
      %add3A_823 = arith.addi %mul3A_821, %add3A_822 : i32
      %dma_wait3A_824 = arith.constant 3 : i32
      %dma_wait3A_825 = arith.constant 0 : i32
      %dma_wait3A_826 = arith.constant 0 : i32
      %dma_wait3A_827 = tpu.memref_slice %arg6[%dma_wait3A_824, %dma_wait3A_825, %dma_wait3A_826] : memref<5x128x128xf32, #tpu.memory_space<vmem>> -> memref<1x128x128xf32, #tpu.memory_space<vmem>>
      %dma_wait3A_828 = tpu.memref_squeeze %dma_wait3A_827 : memref<1x128x128xf32, #tpu.memory_space<vmem>> -> memref<128x128xf32, #tpu.memory_space<vmem>>
      %dma_wait3A_829 = arith.constant 0 : i32
      %dma_wait3A_830 = arith.constant 0 : i32
      %dma_wait3A_831 = tpu.memref_slice %arg2[%dma_wait3A_829, %dma_wait3A_830] : memref<100000x128xf32, #tpu.memory_space<hbm>> -> memref<128x128xf32, #tpu.memory_space<hbm>>
      %dma_wait3A_832 = arith.constant 0 : i32
      %dma_wait3A_833 = arith.constant 0 : i32
      %dma_wait3A_834 = tpu.memref_slice %arg6[%dma_wait3A_824, %dma_wait3A_832, %dma_wait3A_833] : memref<5x128x128xf32, #tpu.memory_space<vmem>> -> memref<1x128x128xf32, #tpu.memory_space<vmem>>
      %dma_wait3A_835 = tpu.memref_squeeze %dma_wait3A_834 : memref<1x128x128xf32, #tpu.memory_space<vmem>> -> memref<128x128xf32, #tpu.memory_space<vmem>>
      %dma_wait3A_836 = arith.constant 0 : i32
      %dma_wait3A_837 = arith.constant 0 : i32
      %dma_wait3A_838 = tpu.memref_slice %arg2[%dma_wait3A_836, %dma_wait3A_837] : memref<100000x128xf32, #tpu.memory_space<hbm>> -> memref<128x128xf32, #tpu.memory_space<hbm>>
      tpu.wait_dma2 semaphore(%arg11 : memref<!tpu.dma_semaphore, #tpu.memory_space<semaphore_mem>>) src(%dma_wait3A_838 : memref<128x128xf32, #tpu.memory_space<hbm>>) dst(%dma_wait3A_835 : memref<128x128xf32, #tpu.memory_space<vmem>>)
      %dma_start3A_839 = arith.constant 3 : i32
      %dma_start3A_840 = arith.constant 0 : i32
      %dma_start3A_841 = arith.constant 0 : i32
      %dma_start3A_842 = tpu.memref_slice %arg6[%dma_start3A_839, %dma_start3A_840, %dma_start3A_841] : memref<5x128x128xf32, #tpu.memory_space<vmem>> -> memref<1x128x128xf32, #tpu.memory_space<vmem>>
      %dma_start3A_843 = tpu.memref_squeeze %dma_start3A_842 : memref<1x128x128xf32, #tpu.memory_space<vmem>> -> memref<128x128xf32, #tpu.memory_space<vmem>>
      %dma_start3A_844 = arith.constant 0 : i32
      %dma_start3A_845 = arith.constant 0 : i32
      %dma_start3A_846 = tpu.memref_slice %arg7[%arg1, %dma_start3A_844, %dma_start3A_845] : memref<16x128x128xf32, #tpu.memory_space<vmem_shared>> -> memref<1x128x128xf32, #tpu.memory_space<vmem_shared>>
      %dma_start3A_847 = tpu.memref_squeeze %dma_start3A_846 : memref<1x128x128xf32, #tpu.memory_space<vmem_shared>> -> memref<128x128xf32, #tpu.memory_space<vmem_shared>>
      %dma_start3A_848 = arith.constant 0 : i32
      %dma_start3A_849 = arith.constant 0 : i32
      %dma_start3A_850 = tpu.memref_slice %arg7[%arg1, %dma_start3A_848, %dma_start3A_849] : memref<16x128x128xf32, #tpu.memory_space<vmem_shared>> -> memref<1x128x128xf32, #tpu.memory_space<vmem_shared>>
      %dma_start3A_851 = tpu.memref_squeeze %dma_start3A_850 : memref<1x128x128xf32, #tpu.memory_space<vmem_shared>> -> memref<128x128xf32, #tpu.memory_space<vmem_shared>>
      %dma_start3A_852 = arith.constant 0 : i32
      %dma_start3A_853 = arith.constant 0 : i32
      %dma_start3A_854 = tpu.memref_slice %arg6[%dma_start3A_839, %dma_start3A_852, %dma_start3A_853] : memref<5x128x128xf32, #tpu.memory_space<vmem>> -> memref<1x128x128xf32, #tpu.memory_space<vmem>>
      %dma_start3A_855 = tpu.memref_squeeze %dma_start3A_854 : memref<1x128x128xf32, #tpu.memory_space<vmem>> -> memref<128x128xf32, #tpu.memory_space<vmem>>
      tpu.enqueue_dma source(%dma_start3A_855 : memref<128x128xf32, #tpu.memory_space<vmem>>) target(%dma_start3A_851 : memref<128x128xf32, #tpu.memory_space<vmem_shared>>) target_semaphore(%arg16 : memref<!tpu.dma_semaphore, #tpu.memory_space<semaphore_mem>>)
      %dma_wait3A_856 = arith.constant 1 : i32
      %dma_wait3A_857 = arith.constant 0 : i32
      %dma_wait3A_858 = arith.constant 0 : i32
      %dma_wait3A_859 = tpu.memref_slice %arg6[%dma_wait3A_856, %dma_wait3A_857, %dma_wait3A_858] : memref<5x128x128xf32, #tpu.memory_space<vmem>> -> memref<1x128x128xf32, #tpu.memory_space<vmem>>
      %dma_wait3A_860 = tpu.memref_squeeze %dma_wait3A_859 : memref<1x128x128xf32, #tpu.memory_space<vmem>> -> memref<128x128xf32, #tpu.memory_space<vmem>>
      %dma_wait3A_861 = arith.constant 0 : i32
      %dma_wait3A_862 = arith.constant 0 : i32
      %dma_wait3A_863 = tpu.memref_slice %arg7[%arg1, %dma_wait3A_861, %dma_wait3A_862] : memref<16x128x128xf32, #tpu.memory_space<vmem_shared>> -> memref<1x128x128xf32, #tpu.memory_space<vmem_shared>>
      %dma_wait3A_864 = tpu.memref_squeeze %dma_wait3A_863 : memref<1x128x128xf32, #tpu.memory_space<vmem_shared>> -> memref<128x128xf32, #tpu.memory_space<vmem_shared>>
      %dma_wait3A_865 = arith.constant 0 : i32
      %dma_wait3A_866 = arith.constant 0 : i32
      %dma_wait3A_867 = tpu.memref_slice %arg7[%arg1, %dma_wait3A_865, %dma_wait3A_866] : memref<16x128x128xf32, #tpu.memory_space<vmem_shared>> -> memref<1x128x128xf32, #tpu.memory_space<vmem_shared>>
      %dma_wait3A_868 = tpu.memref_squeeze %dma_wait3A_867 : memref<1x128x128xf32, #tpu.memory_space<vmem_shared>> -> memref<128x128xf32, #tpu.memory_space<vmem_shared>>
      %dma_wait3A_869 = arith.constant 0 : i32
      %dma_wait3A_870 = arith.constant 0 : i32
      %dma_wait3A_871 = tpu.memref_slice %arg6[%dma_wait3A_856, %dma_wait3A_869, %dma_wait3A_870] : memref<5x128x128xf32, #tpu.memory_space<vmem>> -> memref<1x128x128xf32, #tpu.memory_space<vmem>>
      %dma_wait3A_872 = tpu.memref_squeeze %dma_wait3A_871 : memref<1x128x128xf32, #tpu.memory_space<vmem>> -> memref<128x128xf32, #tpu.memory_space<vmem>>
      tpu.wait_dma2 semaphore(%arg14 : memref<!tpu.dma_semaphore, #tpu.memory_space<semaphore_mem>>) src(%dma_wait3A_872 : memref<128x128xf32, #tpu.memory_space<vmem>>) dst(%dma_wait3A_868 : memref<128x128xf32, #tpu.memory_space<vmem_shared>>)
      %add3A_873 = arith.constant 5 : i32
      %add3A_874 = arith.addi %add3A_823, %add3A_873 : i32
      %sub3A_875 = arith.constant 2 : i32
      %sub3A_876 = arith.subi %add3A_874, %sub3A_875 : i32
      %dma_start3A_877 = arith.constant 1 : i32
      %dma_start3A_878 = arith.constant 0 : i32
      %dma_start3A_879 = arith.constant 0 : i32
      %dma_start3A_880 = tpu.memref_slice %arg6[%dma_start3A_877, %dma_start3A_878, %dma_start3A_879] : memref<5x128x128xf32, #tpu.memory_space<vmem>> -> memref<1x128x128xf32, #tpu.memory_space<vmem>>
      %dma_start3A_881 = tpu.memref_squeeze %dma_start3A_880 : memref<1x128x128xf32, #tpu.memory_space<vmem>> -> memref<128x128xf32, #tpu.memory_space<vmem>>
      %dma_start3A_882 = arith.constant 0 : i32
      %dma_start3A_883 = tpu.memref_slice %arg5[%sub3A_876, %dma_start3A_882] : memref<200x128xi32, #tpu.memory_space<vmem>> -> memref<1x128xi32, #tpu.memory_space<vmem>>
      %dma_start3A_884 = tpu.memref_squeeze %dma_start3A_883 : memref<1x128xi32, #tpu.memory_space<vmem>> -> memref<128xi32, #tpu.memory_space<vmem>>
      %dma_start3A_885 = arith.constant 0 : i32
      %dma_start3A_886 = arith.constant 0 : i32
      %dma_start3A_887 = tpu.memref_slice %arg2[%dma_start3A_885, %dma_start3A_886] : memref<100000x128xf32, #tpu.memory_space<hbm>> -> memref<100000x128xf32, #tpu.memory_space<hbm>>
      tpu.enqueue_indirect_dma source(%dma_start3A_887 : memref<100000x128xf32, #tpu.memory_space<hbm>>) target(%dma_start3A_881 : memref<128x128xf32, #tpu.memory_space<vmem>>) offsets(%dma_start3A_884 : memref<128xi32, #tpu.memory_space<vmem>>) semaphore(%arg9 : memref<!tpu.dma_semaphore, #tpu.memory_space<semaphore_mem>>)
      %mul3A_888 = arith.constant 5 : i32
      %mul3A_889 = arith.muli %scan3A_616, %mul3A_888 : i32
      %add3A_890 = arith.constant 4 : i32
      %add3A_891 = arith.addi %mul3A_889, %add3A_890 : i32
      %dma_wait3A_892 = arith.constant 4 : i32
      %dma_wait3A_893 = arith.constant 0 : i32
      %dma_wait3A_894 = arith.constant 0 : i32
      %dma_wait3A_895 = tpu.memref_slice %arg6[%dma_wait3A_892, %dma_wait3A_893, %dma_wait3A_894] : memref<5x128x128xf32, #tpu.memory_space<vmem>> -> memref<1x128x128xf32, #tpu.memory_space<vmem>>
      %dma_wait3A_896 = tpu.memref_squeeze %dma_wait3A_895 : memref<1x128x128xf32, #tpu.memory_space<vmem>> -> memref<128x128xf32, #tpu.memory_space<vmem>>
      %dma_wait3A_897 = arith.constant 0 : i32
      %dma_wait3A_898 = arith.constant 0 : i32
      %dma_wait3A_899 = tpu.memref_slice %arg2[%dma_wait3A_897, %dma_wait3A_898] : memref<100000x128xf32, #tpu.memory_space<hbm>> -> memref<128x128xf32, #tpu.memory_space<hbm>>
      %dma_wait3A_900 = arith.constant 0 : i32
      %dma_wait3A_901 = arith.constant 0 : i32
      %dma_wait3A_902 = tpu.memref_slice %arg6[%dma_wait3A_892, %dma_wait3A_900, %dma_wait3A_901] : memref<5x128x128xf32, #tpu.memory_space<vmem>> -> memref<1x128x128xf32, #tpu.memory_space<vmem>>
      %dma_wait3A_903 = tpu.memref_squeeze %dma_wait3A_902 : memref<1x128x128xf32, #tpu.memory_space<vmem>> -> memref<128x128xf32, #tpu.memory_space<vmem>>
      %dma_wait3A_904 = arith.constant 0 : i32
      %dma_wait3A_905 = arith.constant 0 : i32
      %dma_wait3A_906 = tpu.memref_slice %arg2[%dma_wait3A_904, %dma_wait3A_905] : memref<100000x128xf32, #tpu.memory_space<hbm>> -> memref<128x128xf32, #tpu.memory_space<hbm>>
      tpu.wait_dma2 semaphore(%arg12 : memref<!tpu.dma_semaphore, #tpu.memory_space<semaphore_mem>>) src(%dma_wait3A_906 : memref<128x128xf32, #tpu.memory_space<hbm>>) dst(%dma_wait3A_903 : memref<128x128xf32, #tpu.memory_space<vmem>>)
      %dma_start3A_907 = arith.constant 4 : i32
      %dma_start3A_908 = arith.constant 0 : i32
      %dma_start3A_909 = arith.constant 0 : i32
      %dma_start3A_910 = tpu.memref_slice %arg6[%dma_start3A_907, %dma_start3A_908, %dma_start3A_909] : memref<5x128x128xf32, #tpu.memory_space<vmem>> -> memref<1x128x128xf32, #tpu.memory_space<vmem>>
      %dma_start3A_911 = tpu.memref_squeeze %dma_start3A_910 : memref<1x128x128xf32, #tpu.memory_space<vmem>> -> memref<128x128xf32, #tpu.memory_space<vmem>>
      %dma_start3A_912 = arith.constant 0 : i32
      %dma_start3A_913 = arith.constant 0 : i32
      %dma_start3A_914 = tpu.memref_slice %arg7[%arg1, %dma_start3A_912, %dma_start3A_913] : memref<16x128x128xf32, #tpu.memory_space<vmem_shared>> -> memref<1x128x128xf32, #tpu.memory_space<vmem_shared>>
      %dma_start3A_915 = tpu.memref_squeeze %dma_start3A_914 : memref<1x128x128xf32, #tpu.memory_space<vmem_shared>> -> memref<128x128xf32, #tpu.memory_space<vmem_shared>>
      %dma_start3A_916 = arith.constant 0 : i32
      %dma_start3A_917 = arith.constant 0 : i32
      %dma_start3A_918 = tpu.memref_slice %arg7[%arg1, %dma_start3A_916, %dma_start3A_917] : memref<16x128x128xf32, #tpu.memory_space<vmem_shared>> -> memref<1x128x128xf32, #tpu.memory_space<vmem_shared>>
      %dma_start3A_919 = tpu.memref_squeeze %dma_start3A_918 : memref<1x128x128xf32, #tpu.memory_space<vmem_shared>> -> memref<128x128xf32, #tpu.memory_space<vmem_shared>>
      %dma_start3A_920 = arith.constant 0 : i32
      %dma_start3A_921 = arith.constant 0 : i32
      %dma_start3A_922 = tpu.memref_slice %arg6[%dma_start3A_907, %dma_start3A_920, %dma_start3A_921] : memref<5x128x128xf32, #tpu.memory_space<vmem>> -> memref<1x128x128xf32, #tpu.memory_space<vmem>>
      %dma_start3A_923 = tpu.memref_squeeze %dma_start3A_922 : memref<1x128x128xf32, #tpu.memory_space<vmem>> -> memref<128x128xf32, #tpu.memory_space<vmem>>
      tpu.enqueue_dma source(%dma_start3A_923 : memref<128x128xf32, #tpu.memory_space<vmem>>) target(%dma_start3A_919 : memref<128x128xf32, #tpu.memory_space<vmem_shared>>) target_semaphore(%arg17 : memref<!tpu.dma_semaphore, #tpu.memory_space<semaphore_mem>>)
      %dma_wait3A_924 = arith.constant 2 : i32
      %dma_wait3A_925 = arith.constant 0 : i32
      %dma_wait3A_926 = arith.constant 0 : i32
      %dma_wait3A_927 = tpu.memref_slice %arg6[%dma_wait3A_924, %dma_wait3A_925, %dma_wait3A_926] : memref<5x128x128xf32, #tpu.memory_space<vmem>> -> memref<1x128x128xf32, #tpu.memory_space<vmem>>
      %dma_wait3A_928 = tpu.memref_squeeze %dma_wait3A_927 : memref<1x128x128xf32, #tpu.memory_space<vmem>> -> memref<128x128xf32, #tpu.memory_space<vmem>>
      %dma_wait3A_929 = arith.constant 0 : i32
      %dma_wait3A_930 = arith.constant 0 : i32
      %dma_wait3A_931 = tpu.memref_slice %arg7[%arg1, %dma_wait3A_929, %dma_wait3A_930] : memref<16x128x128xf32, #tpu.memory_space<vmem_shared>> -> memref<1x128x128xf32, #tpu.memory_space<vmem_shared>>
      %dma_wait3A_932 = tpu.memref_squeeze %dma_wait3A_931 : memref<1x128x128xf32, #tpu.memory_space<vmem_shared>> -> memref<128x128xf32, #tpu.memory_space<vmem_shared>>
      %dma_wait3A_933 = arith.constant 0 : i32
      %dma_wait3A_934 = arith.constant 0 : i32
      %dma_wait3A_935 = tpu.memref_slice %arg7[%arg1, %dma_wait3A_933, %dma_wait3A_934] : memref<16x128x128xf32, #tpu.memory_space<vmem_shared>> -> memref<1x128x128xf32, #tpu.memory_space<vmem_shared>>
      %dma_wait3A_936 = tpu.memref_squeeze %dma_wait3A_935 : memref<1x128x128xf32, #tpu.memory_space<vmem_shared>> -> memref<128x128xf32, #tpu.memory_space<vmem_shared>>
      %dma_wait3A_937 = arith.constant 0 : i32
      %dma_wait3A_938 = arith.constant 0 : i32
      %dma_wait3A_939 = tpu.memref_slice %arg6[%dma_wait3A_924, %dma_wait3A_937, %dma_wait3A_938] : memref<5x128x128xf32, #tpu.memory_space<vmem>> -> memref<1x128x128xf32, #tpu.memory_space<vmem>>
      %dma_wait3A_940 = tpu.memref_squeeze %dma_wait3A_939 : memref<1x128x128xf32, #tpu.memory_space<vmem>> -> memref<128x128xf32, #tpu.memory_space<vmem>>
      tpu.wait_dma2 semaphore(%arg15 : memref<!tpu.dma_semaphore, #tpu.memory_space<semaphore_mem>>) src(%dma_wait3A_940 : memref<128x128xf32, #tpu.memory_space<vmem>>) dst(%dma_wait3A_936 : memref<128x128xf32, #tpu.memory_space<vmem_shared>>)
      %add3A_941 = arith.constant 5 : i32
      %add3A_942 = arith.addi %add3A_891, %add3A_941 : i32
      %sub3A_943 = arith.constant 2 : i32
      %sub3A_944 = arith.subi %add3A_942, %sub3A_943 : i32
      %dma_start3A_945 = arith.constant 2 : i32
      %dma_start3A_946 = arith.constant 0 : i32
      %dma_start3A_947 = arith.constant 0 : i32
      %dma_start3A_948 = tpu.memref_slice %arg6[%dma_start3A_945, %dma_start3A_946, %dma_start3A_947] : memref<5x128x128xf32, #tpu.memory_space<vmem>> -> memref<1x128x128xf32, #tpu.memory_space<vmem>>
      %dma_start3A_949 = tpu.memref_squeeze %dma_start3A_948 : memref<1x128x128xf32, #tpu.memory_space<vmem>> -> memref<128x128xf32, #tpu.memory_space<vmem>>
      %dma_start3A_950 = arith.constant 0 : i32
      %dma_start3A_951 = tpu.memref_slice %arg5[%sub3A_944, %dma_start3A_950] : memref<200x128xi32, #tpu.memory_space<vmem>> -> memref<1x128xi32, #tpu.memory_space<vmem>>
      %dma_start3A_952 = tpu.memref_squeeze %dma_start3A_951 : memref<1x128xi32, #tpu.memory_space<vmem>> -> memref<128xi32, #tpu.memory_space<vmem>>
      %dma_start3A_953 = arith.constant 0 : i32
      %dma_start3A_954 = arith.constant 0 : i32
      %dma_start3A_955 = tpu.memref_slice %arg2[%dma_start3A_953, %dma_start3A_954] : memref<100000x128xf32, #tpu.memory_space<hbm>> -> memref<100000x128xf32, #tpu.memory_space<hbm>>
      tpu.enqueue_indirect_dma source(%dma_start3A_955 : memref<100000x128xf32, #tpu.memory_space<hbm>>) target(%dma_start3A_949 : memref<128x128xf32, #tpu.memory_space<vmem>>) offsets(%dma_start3A_952 : memref<128xi32, #tpu.memory_space<vmem>>) semaphore(%arg10 : memref<!tpu.dma_semaphore, #tpu.memory_space<semaphore_mem>>)
    }
    %scan3A_312 = arith.constant 38 : i32
    %dma_wait3A_313 = arith.constant 0 : i32
    %dma_wait3A_314 = arith.constant 0 : i32
    %dma_wait3A_315 = arith.constant 0 : i32
    %dma_wait3A_316 = tpu.memref_slice %arg6[%dma_wait3A_313, %dma_wait3A_314, %dma_wait3A_315] : memref<5x128x128xf32, #tpu.memory_space<vmem>> -> memref<1x128x128xf32, #tpu.memory_space<vmem>>
    %dma_wait3A_317 = tpu.memref_squeeze %dma_wait3A_316 : memref<1x128x128xf32, #tpu.memory_space<vmem>> -> memref<128x128xf32, #tpu.memory_space<vmem>>
    %dma_wait3A_318 = arith.constant 0 : i32
    %dma_wait3A_319 = arith.constant 0 : i32
    %dma_wait3A_320 = tpu.memref_slice %arg2[%dma_wait3A_318, %dma_wait3A_319] : memref<100000x128xf32, #tpu.memory_space<hbm>> -> memref<128x128xf32, #tpu.memory_space<hbm>>
    %dma_wait3A_321 = arith.constant 0 : i32
    %dma_wait3A_322 = arith.constant 0 : i32
    %dma_wait3A_323 = tpu.memref_slice %arg6[%dma_wait3A_313, %dma_wait3A_321, %dma_wait3A_322] : memref<5x128x128xf32, #tpu.memory_space<vmem>> -> memref<1x128x128xf32, #tpu.memory_space<vmem>>
    %dma_wait3A_324 = tpu.memref_squeeze %dma_wait3A_323 : memref<1x128x128xf32, #tpu.memory_space<vmem>> -> memref<128x128xf32, #tpu.memory_space<vmem>>
    %dma_wait3A_325 = arith.constant 0 : i32
    %dma_wait3A_326 = arith.constant 0 : i32
    %dma_wait3A_327 = tpu.memref_slice %arg2[%dma_wait3A_325, %dma_wait3A_326] : memref<100000x128xf32, #tpu.memory_space<hbm>> -> memref<128x128xf32, #tpu.memory_space<hbm>>
    tpu.wait_dma2 semaphore(%arg8 : memref<!tpu.dma_semaphore, #tpu.memory_space<semaphore_mem>>) src(%dma_wait3A_327 : memref<128x128xf32, #tpu.memory_space<hbm>>) dst(%dma_wait3A_324 : memref<128x128xf32, #tpu.memory_space<vmem>>)
    %dma_start3A_328 = arith.constant 0 : i32
    %dma_start3A_329 = arith.constant 0 : i32
    %dma_start3A_330 = arith.constant 0 : i32
    %dma_start3A_331 = tpu.memref_slice %arg6[%dma_start3A_328, %dma_start3A_329, %dma_start3A_330] : memref<5x128x128xf32, #tpu.memory_space<vmem>> -> memref<1x128x128xf32, #tpu.memory_space<vmem>>
    %dma_start3A_332 = tpu.memref_squeeze %dma_start3A_331 : memref<1x128x128xf32, #tpu.memory_space<vmem>> -> memref<128x128xf32, #tpu.memory_space<vmem>>
    %dma_start3A_333 = arith.constant 0 : i32
    %dma_start3A_334 = arith.constant 0 : i32
    %dma_start3A_335 = tpu.memref_slice %arg7[%arg1, %dma_start3A_333, %dma_start3A_334] : memref<16x128x128xf32, #tpu.memory_space<vmem_shared>> -> memref<1x128x128xf32, #tpu.memory_space<vmem_shared>>
    %dma_start3A_336 = tpu.memref_squeeze %dma_start3A_335 : memref<1x128x128xf32, #tpu.memory_space<vmem_shared>> -> memref<128x128xf32, #tpu.memory_space<vmem_shared>>
    %dma_start3A_337 = arith.constant 0 : i32
    %dma_start3A_338 = arith.constant 0 : i32
    %dma_start3A_339 = tpu.memref_slice %arg7[%arg1, %dma_start3A_337, %dma_start3A_338] : memref<16x128x128xf32, #tpu.memory_space<vmem_shared>> -> memref<1x128x128xf32, #tpu.memory_space<vmem_shared>>
    %dma_start3A_340 = tpu.memref_squeeze %dma_start3A_339 : memref<1x128x128xf32, #tpu.memory_space<vmem_shared>> -> memref<128x128xf32, #tpu.memory_space<vmem_shared>>
    %dma_start3A_341 = arith.constant 0 : i32
    %dma_start3A_342 = arith.constant 0 : i32
    %dma_start3A_343 = tpu.memref_slice %arg6[%dma_start3A_328, %dma_start3A_341, %dma_start3A_342] : memref<5x128x128xf32, #tpu.memory_space<vmem>> -> memref<1x128x128xf32, #tpu.memory_space<vmem>>
    %dma_start3A_344 = tpu.memref_squeeze %dma_start3A_343 : memref<1x128x128xf32, #tpu.memory_space<vmem>> -> memref<128x128xf32, #tpu.memory_space<vmem>>
    tpu.enqueue_dma source(%dma_start3A_344 : memref<128x128xf32, #tpu.memory_space<vmem>>) target(%dma_start3A_340 : memref<128x128xf32, #tpu.memory_space<vmem_shared>>) target_semaphore(%arg13 : memref<!tpu.dma_semaphore, #tpu.memory_space<semaphore_mem>>)
    %dma_wait3A_345 = arith.constant 3 : i32
    %dma_wait3A_346 = arith.constant 0 : i32
    %dma_wait3A_347 = arith.constant 0 : i32
    %dma_wait3A_348 = tpu.memref_slice %arg6[%dma_wait3A_345, %dma_wait3A_346, %dma_wait3A_347] : memref<5x128x128xf32, #tpu.memory_space<vmem>> -> memref<1x128x128xf32, #tpu.memory_space<vmem>>
    %dma_wait3A_349 = tpu.memref_squeeze %dma_wait3A_348 : memref<1x128x128xf32, #tpu.memory_space<vmem>> -> memref<128x128xf32, #tpu.memory_space<vmem>>
    %dma_wait3A_350 = arith.constant 0 : i32
    %dma_wait3A_351 = arith.constant 0 : i32
    %dma_wait3A_352 = tpu.memref_slice %arg7[%arg1, %dma_wait3A_350, %dma_wait3A_351] : memref<16x128x128xf32, #tpu.memory_space<vmem_shared>> -> memref<1x128x128xf32, #tpu.memory_space<vmem_shared>>
    %dma_wait3A_353 = tpu.memref_squeeze %dma_wait3A_352 : memref<1x128x128xf32, #tpu.memory_space<vmem_shared>> -> memref<128x128xf32, #tpu.memory_space<vmem_shared>>
    %dma_wait3A_354 = arith.constant 0 : i32
    %dma_wait3A_355 = arith.constant 0 : i32
    %dma_wait3A_356 = tpu.memref_slice %arg7[%arg1, %dma_wait3A_354, %dma_wait3A_355] : memref<16x128x128xf32, #tpu.memory_space<vmem_shared>> -> memref<1x128x128xf32, #tpu.memory_space<vmem_shared>>
    %dma_wait3A_357 = tpu.memref_squeeze %dma_wait3A_356 : memref<1x128x128xf32, #tpu.memory_space<vmem_shared>> -> memref<128x128xf32, #tpu.memory_space<vmem_shared>>
    %dma_wait3A_358 = arith.constant 0 : i32
    %dma_wait3A_359 = arith.constant 0 : i32
    %dma_wait3A_360 = tpu.memref_slice %arg6[%dma_wait3A_345, %dma_wait3A_358, %dma_wait3A_359] : memref<5x128x128xf32, #tpu.memory_space<vmem>> -> memref<1x128x128xf32, #tpu.memory_space<vmem>>
    %dma_wait3A_361 = tpu.memref_squeeze %dma_wait3A_360 : memref<1x128x128xf32, #tpu.memory_space<vmem>> -> memref<128x128xf32, #tpu.memory_space<vmem>>
    tpu.wait_dma2 semaphore(%arg16 : memref<!tpu.dma_semaphore, #tpu.memory_space<semaphore_mem>>) src(%dma_wait3A_361 : memref<128x128xf32, #tpu.memory_space<vmem>>) dst(%dma_wait3A_357 : memref<128x128xf32, #tpu.memory_space<vmem_shared>>)
    %dma_start3A_362 = arith.constant 198 : i32
    %dma_start3A_363 = arith.constant 3 : i32
    %dma_start3A_364 = arith.constant 0 : i32
    %dma_start3A_365 = arith.constant 0 : i32
    %dma_start3A_366 = tpu.memref_slice %arg6[%dma_start3A_363, %dma_start3A_364, %dma_start3A_365] : memref<5x128x128xf32, #tpu.memory_space<vmem>> -> memref<1x128x128xf32, #tpu.memory_space<vmem>>
    %dma_start3A_367 = tpu.memref_squeeze %dma_start3A_366 : memref<1x128x128xf32, #tpu.memory_space<vmem>> -> memref<128x128xf32, #tpu.memory_space<vmem>>
    %dma_start3A_368 = arith.constant 0 : i32
    %dma_start3A_369 = tpu.memref_slice %arg5[%dma_start3A_362, %dma_start3A_368] : memref<200x128xi32, #tpu.memory_space<vmem>> -> memref<1x128xi32, #tpu.memory_space<vmem>>
    %dma_start3A_370 = tpu.memref_squeeze %dma_start3A_369 : memref<1x128xi32, #tpu.memory_space<vmem>> -> memref<128xi32, #tpu.memory_space<vmem>>
    %dma_start3A_371 = arith.constant 0 : i32
    %dma_start3A_372 = arith.constant 0 : i32
    %dma_start3A_373 = tpu.memref_slice %arg2[%dma_start3A_371, %dma_start3A_372] : memref<100000x128xf32, #tpu.memory_space<hbm>> -> memref<100000x128xf32, #tpu.memory_space<hbm>>
    tpu.enqueue_indirect_dma source(%dma_start3A_373 : memref<100000x128xf32, #tpu.memory_space<hbm>>) target(%dma_start3A_367 : memref<128x128xf32, #tpu.memory_space<vmem>>) offsets(%dma_start3A_370 : memref<128xi32, #tpu.memory_space<vmem>>) semaphore(%arg11 : memref<!tpu.dma_semaphore, #tpu.memory_space<semaphore_mem>>)
    %dma_wait3A_374 = arith.constant 1 : i32
    %dma_wait3A_375 = arith.constant 0 : i32
    %dma_wait3A_376 = arith.constant 0 : i32
    %dma_wait3A_377 = tpu.memref_slice %arg6[%dma_wait3A_374, %dma_wait3A_375, %dma_wait3A_376] : memref<5x128x128xf32, #tpu.memory_space<vmem>> -> memref<1x128x128xf32, #tpu.memory_space<vmem>>
    %dma_wait3A_378 = tpu.memref_squeeze %dma_wait3A_377 : memref<1x128x128xf32, #tpu.memory_space<vmem>> -> memref<128x128xf32, #tpu.memory_space<vmem>>
    %dma_wait3A_379 = arith.constant 0 : i32
    %dma_wait3A_380 = arith.constant 0 : i32
    %dma_wait3A_381 = tpu.memref_slice %arg2[%dma_wait3A_379, %dma_wait3A_380] : memref<100000x128xf32, #tpu.memory_space<hbm>> -> memref<128x128xf32, #tpu.memory_space<hbm>>
    %dma_wait3A_382 = arith.constant 0 : i32
    %dma_wait3A_383 = arith.constant 0 : i32
    %dma_wait3A_384 = tpu.memref_slice %arg6[%dma_wait3A_374, %dma_wait3A_382, %dma_wait3A_383] : memref<5x128x128xf32, #tpu.memory_space<vmem>> -> memref<1x128x128xf32, #tpu.memory_space<vmem>>
    %dma_wait3A_385 = tpu.memref_squeeze %dma_wait3A_384 : memref<1x128x128xf32, #tpu.memory_space<vmem>> -> memref<128x128xf32, #tpu.memory_space<vmem>>
    %dma_wait3A_386 = arith.constant 0 : i32
    %dma_wait3A_387 = arith.constant 0 : i32
    %dma_wait3A_388 = tpu.memref_slice %arg2[%dma_wait3A_386, %dma_wait3A_387] : memref<100000x128xf32, #tpu.memory_space<hbm>> -> memref<128x128xf32, #tpu.memory_space<hbm>>
    tpu.wait_dma2 semaphore(%arg9 : memref<!tpu.dma_semaphore, #tpu.memory_space<semaphore_mem>>) src(%dma_wait3A_388 : memref<128x128xf32, #tpu.memory_space<hbm>>) dst(%dma_wait3A_385 : memref<128x128xf32, #tpu.memory_space<vmem>>)
    %dma_start3A_389 = arith.constant 1 : i32
    %dma_start3A_390 = arith.constant 0 : i32
    %dma_start3A_391 = arith.constant 0 : i32
    %dma_start3A_392 = tpu.memref_slice %arg6[%dma_start3A_389, %dma_start3A_390, %dma_start3A_391] : memref<5x128x128xf32, #tpu.memory_space<vmem>> -> memref<1x128x128xf32, #tpu.memory_space<vmem>>
    %dma_start3A_393 = tpu.memref_squeeze %dma_start3A_392 : memref<1x128x128xf32, #tpu.memory_space<vmem>> -> memref<128x128xf32, #tpu.memory_space<vmem>>
    %dma_start3A_394 = arith.constant 0 : i32
    %dma_start3A_395 = arith.constant 0 : i32
    %dma_start3A_396 = tpu.memref_slice %arg7[%arg1, %dma_start3A_394, %dma_start3A_395] : memref<16x128x128xf32, #tpu.memory_space<vmem_shared>> -> memref<1x128x128xf32, #tpu.memory_space<vmem_shared>>
    %dma_start3A_397 = tpu.memref_squeeze %dma_start3A_396 : memref<1x128x128xf32, #tpu.memory_space<vmem_shared>> -> memref<128x128xf32, #tpu.memory_space<vmem_shared>>
    %dma_start3A_398 = arith.constant 0 : i32
    %dma_start3A_399 = arith.constant 0 : i32
    %dma_start3A_400 = tpu.memref_slice %arg7[%arg1, %dma_start3A_398, %dma_start3A_399] : memref<16x128x128xf32, #tpu.memory_space<vmem_shared>> -> memref<1x128x128xf32, #tpu.memory_space<vmem_shared>>
    %dma_start3A_401 = tpu.memref_squeeze %dma_start3A_400 : memref<1x128x128xf32, #tpu.memory_space<vmem_shared>> -> memref<128x128xf32, #tpu.memory_space<vmem_shared>>
    %dma_start3A_402 = arith.constant 0 : i32
    %dma_start3A_403 = arith.constant 0 : i32
    %dma_start3A_404 = tpu.memref_slice %arg6[%dma_start3A_389, %dma_start3A_402, %dma_start3A_403] : memref<5x128x128xf32, #tpu.memory_space<vmem>> -> memref<1x128x128xf32, #tpu.memory_space<vmem>>
    %dma_start3A_405 = tpu.memref_squeeze %dma_start3A_404 : memref<1x128x128xf32, #tpu.memory_space<vmem>> -> memref<128x128xf32, #tpu.memory_space<vmem>>
    tpu.enqueue_dma source(%dma_start3A_405 : memref<128x128xf32, #tpu.memory_space<vmem>>) target(%dma_start3A_401 : memref<128x128xf32, #tpu.memory_space<vmem_shared>>) target_semaphore(%arg14 : memref<!tpu.dma_semaphore, #tpu.memory_space<semaphore_mem>>)
    %dma_wait3A_406 = arith.constant 4 : i32
    %dma_wait3A_407 = arith.constant 0 : i32
    %dma_wait3A_408 = arith.constant 0 : i32
    %dma_wait3A_409 = tpu.memref_slice %arg6[%dma_wait3A_406, %dma_wait3A_407, %dma_wait3A_408] : memref<5x128x128xf32, #tpu.memory_space<vmem>> -> memref<1x128x128xf32, #tpu.memory_space<vmem>>
    %dma_wait3A_410 = tpu.memref_squeeze %dma_wait3A_409 : memref<1x128x128xf32, #tpu.memory_space<vmem>> -> memref<128x128xf32, #tpu.memory_space<vmem>>
    %dma_wait3A_411 = arith.constant 0 : i32
    %dma_wait3A_412 = arith.constant 0 : i32
    %dma_wait3A_413 = tpu.memref_slice %arg7[%arg1, %dma_wait3A_411, %dma_wait3A_412] : memref<16x128x128xf32, #tpu.memory_space<vmem_shared>> -> memref<1x128x128xf32, #tpu.memory_space<vmem_shared>>
    %dma_wait3A_414 = tpu.memref_squeeze %dma_wait3A_413 : memref<1x128x128xf32, #tpu.memory_space<vmem_shared>> -> memref<128x128xf32, #tpu.memory_space<vmem_shared>>
    %dma_wait3A_415 = arith.constant 0 : i32
    %dma_wait3A_416 = arith.constant 0 : i32
    %dma_wait3A_417 = tpu.memref_slice %arg7[%arg1, %dma_wait3A_415, %dma_wait3A_416] : memref<16x128x128xf32, #tpu.memory_space<vmem_shared>> -> memref<1x128x128xf32, #tpu.memory_space<vmem_shared>>
    %dma_wait3A_418 = tpu.memref_squeeze %dma_wait3A_417 : memref<1x128x128xf32, #tpu.memory_space<vmem_shared>> -> memref<128x128xf32, #tpu.memory_space<vmem_shared>>
    %dma_wait3A_419 = arith.constant 0 : i32
    %dma_wait3A_420 = arith.constant 0 : i32
    %dma_wait3A_421 = tpu.memref_slice %arg6[%dma_wait3A_406, %dma_wait3A_419, %dma_wait3A_420] : memref<5x128x128xf32, #tpu.memory_space<vmem>> -> memref<1x128x128xf32, #tpu.memory_space<vmem>>
    %dma_wait3A_422 = tpu.memref_squeeze %dma_wait3A_421 : memref<1x128x128xf32, #tpu.memory_space<vmem>> -> memref<128x128xf32, #tpu.memory_space<vmem>>
    tpu.wait_dma2 semaphore(%arg17 : memref<!tpu.dma_semaphore, #tpu.memory_space<semaphore_mem>>) src(%dma_wait3A_422 : memref<128x128xf32, #tpu.memory_space<vmem>>) dst(%dma_wait3A_418 : memref<128x128xf32, #tpu.memory_space<vmem_shared>>)
    %dma_start3A_423 = arith.constant 199 : i32
    %dma_start3A_424 = arith.constant 4 : i32
    %dma_start3A_425 = arith.constant 0 : i32
    %dma_start3A_426 = arith.constant 0 : i32
    %dma_start3A_427 = tpu.memref_slice %arg6[%dma_start3A_424, %dma_start3A_425, %dma_start3A_426] : memref<5x128x128xf32, #tpu.memory_space<vmem>> -> memref<1x128x128xf32, #tpu.memory_space<vmem>>
    %dma_start3A_428 = tpu.memref_squeeze %dma_start3A_427 : memref<1x128x128xf32, #tpu.memory_space<vmem>> -> memref<128x128xf32, #tpu.memory_space<vmem>>
    %dma_start3A_429 = arith.constant 0 : i32
    %dma_start3A_430 = tpu.memref_slice %arg5[%dma_start3A_423, %dma_start3A_429] : memref<200x128xi32, #tpu.memory_space<vmem>> -> memref<1x128xi32, #tpu.memory_space<vmem>>
    %dma_start3A_431 = tpu.memref_squeeze %dma_start3A_430 : memref<1x128xi32, #tpu.memory_space<vmem>> -> memref<128xi32, #tpu.memory_space<vmem>>
    %dma_start3A_432 = arith.constant 0 : i32
    %dma_start3A_433 = arith.constant 0 : i32
    %dma_start3A_434 = tpu.memref_slice %arg2[%dma_start3A_432, %dma_start3A_433] : memref<100000x128xf32, #tpu.memory_space<hbm>> -> memref<100000x128xf32, #tpu.memory_space<hbm>>
    tpu.enqueue_indirect_dma source(%dma_start3A_434 : memref<100000x128xf32, #tpu.memory_space<hbm>>) target(%dma_start3A_428 : memref<128x128xf32, #tpu.memory_space<vmem>>) offsets(%dma_start3A_431 : memref<128xi32, #tpu.memory_space<vmem>>) semaphore(%arg12 : memref<!tpu.dma_semaphore, #tpu.memory_space<semaphore_mem>>)
    %dma_wait3A_435 = arith.constant 2 : i32
    %dma_wait3A_436 = arith.constant 0 : i32
    %dma_wait3A_437 = arith.constant 0 : i32
    %dma_wait3A_438 = tpu.memref_slice %arg6[%dma_wait3A_435, %dma_wait3A_436, %dma_wait3A_437] : memref<5x128x128xf32, #tpu.memory_space<vmem>> -> memref<1x128x128xf32, #tpu.memory_space<vmem>>
    %dma_wait3A_439 = tpu.memref_squeeze %dma_wait3A_438 : memref<1x128x128xf32, #tpu.memory_space<vmem>> -> memref<128x128xf32, #tpu.memory_space<vmem>>
    %dma_wait3A_440 = arith.constant 0 : i32
    %dma_wait3A_441 = arith.constant 0 : i32
    %dma_wait3A_442 = tpu.memref_slice %arg2[%dma_wait3A_440, %dma_wait3A_441] : memref<100000x128xf32, #tpu.memory_space<hbm>> -> memref<128x128xf32, #tpu.memory_space<hbm>>
    %dma_wait3A_443 = arith.constant 0 : i32
    %dma_wait3A_444 = arith.constant 0 : i32
    %dma_wait3A_445 = tpu.memref_slice %arg6[%dma_wait3A_435, %dma_wait3A_443, %dma_wait3A_444] : memref<5x128x128xf32, #tpu.memory_space<vmem>> -> memref<1x128x128xf32, #tpu.memory_space<vmem>>
    %dma_wait3A_446 = tpu.memref_squeeze %dma_wait3A_445 : memref<1x128x128xf32, #tpu.memory_space<vmem>> -> memref<128x128xf32, #tpu.memory_space<vmem>>
    %dma_wait3A_447 = arith.constant 0 : i32
    %dma_wait3A_448 = arith.constant 0 : i32
    %dma_wait3A_449 = tpu.memref_slice %arg2[%dma_wait3A_447, %dma_wait3A_448] : memref<100000x128xf32, #tpu.memory_space<hbm>> -> memref<128x128xf32, #tpu.memory_space<hbm>>
    tpu.wait_dma2 semaphore(%arg10 : memref<!tpu.dma_semaphore, #tpu.memory_space<semaphore_mem>>) src(%dma_wait3A_449 : memref<128x128xf32, #tpu.memory_space<hbm>>) dst(%dma_wait3A_446 : memref<128x128xf32, #tpu.memory_space<vmem>>)
    %dma_start3A_450 = arith.constant 2 : i32
    %dma_start3A_451 = arith.constant 0 : i32
    %dma_start3A_452 = arith.constant 0 : i32
    %dma_start3A_453 = tpu.memref_slice %arg6[%dma_start3A_450, %dma_start3A_451, %dma_start3A_452] : memref<5x128x128xf32, #tpu.memory_space<vmem>> -> memref<1x128x128xf32, #tpu.memory_space<vmem>>
    %dma_start3A_454 = tpu.memref_squeeze %dma_start3A_453 : memref<1x128x128xf32, #tpu.memory_space<vmem>> -> memref<128x128xf32, #tpu.memory_space<vmem>>
    %dma_start3A_455 = arith.constant 0 : i32
    %dma_start3A_456 = arith.constant 0 : i32
    %dma_start3A_457 = tpu.memref_slice %arg7[%arg1, %dma_start3A_455, %dma_start3A_456] : memref<16x128x128xf32, #tpu.memory_space<vmem_shared>> -> memref<1x128x128xf32, #tpu.memory_space<vmem_shared>>
    %dma_start3A_458 = tpu.memref_squeeze %dma_start3A_457 : memref<1x128x128xf32, #tpu.memory_space<vmem_shared>> -> memref<128x128xf32, #tpu.memory_space<vmem_shared>>
    %dma_start3A_459 = arith.constant 0 : i32
    %dma_start3A_460 = arith.constant 0 : i32
    %dma_start3A_461 = tpu.memref_slice %arg7[%arg1, %dma_start3A_459, %dma_start3A_460] : memref<16x128x128xf32, #tpu.memory_space<vmem_shared>> -> memref<1x128x128xf32, #tpu.memory_space<vmem_shared>>
    %dma_start3A_462 = tpu.memref_squeeze %dma_start3A_461 : memref<1x128x128xf32, #tpu.memory_space<vmem_shared>> -> memref<128x128xf32, #tpu.memory_space<vmem_shared>>
    %dma_start3A_463 = arith.constant 0 : i32
    %dma_start3A_464 = arith.constant 0 : i32
    %dma_start3A_465 = tpu.memref_slice %arg6[%dma_start3A_450, %dma_start3A_463, %dma_start3A_464] : memref<5x128x128xf32, #tpu.memory_space<vmem>> -> memref<1x128x128xf32, #tpu.memory_space<vmem>>
    %dma_start3A_466 = tpu.memref_squeeze %dma_start3A_465 : memref<1x128x128xf32, #tpu.memory_space<vmem>> -> memref<128x128xf32, #tpu.memory_space<vmem>>
    tpu.enqueue_dma source(%dma_start3A_466 : memref<128x128xf32, #tpu.memory_space<vmem>>) target(%dma_start3A_462 : memref<128x128xf32, #tpu.memory_space<vmem_shared>>) target_semaphore(%arg15 : memref<!tpu.dma_semaphore, #tpu.memory_space<semaphore_mem>>)
    %dma_wait3A_467 = arith.constant 0 : i32
    %dma_wait3A_468 = arith.constant 0 : i32
    %dma_wait3A_469 = arith.constant 0 : i32
    %dma_wait3A_470 = tpu.memref_slice %arg6[%dma_wait3A_467, %dma_wait3A_468, %dma_wait3A_469] : memref<5x128x128xf32, #tpu.memory_space<vmem>> -> memref<1x128x128xf32, #tpu.memory_space<vmem>>
    %dma_wait3A_471 = tpu.memref_squeeze %dma_wait3A_470 : memref<1x128x128xf32, #tpu.memory_space<vmem>> -> memref<128x128xf32, #tpu.memory_space<vmem>>
    %dma_wait3A_472 = arith.constant 0 : i32
    %dma_wait3A_473 = arith.constant 0 : i32
    %dma_wait3A_474 = tpu.memref_slice %arg7[%arg1, %dma_wait3A_472, %dma_wait3A_473] : memref<16x128x128xf32, #tpu.memory_space<vmem_shared>> -> memref<1x128x128xf32, #tpu.memory_space<vmem_shared>>
    %dma_wait3A_475 = tpu.memref_squeeze %dma_wait3A_474 : memref<1x128x128xf32, #tpu.memory_space<vmem_shared>> -> memref<128x128xf32, #tpu.memory_space<vmem_shared>>
    %dma_wait3A_476 = arith.constant 0 : i32
    %dma_wait3A_477 = arith.constant 0 : i32
    %dma_wait3A_478 = tpu.memref_slice %arg7[%arg1, %dma_wait3A_476, %dma_wait3A_477] : memref<16x128x128xf32, #tpu.memory_space<vmem_shared>> -> memref<1x128x128xf32, #tpu.memory_space<vmem_shared>>
    %dma_wait3A_479 = tpu.memref_squeeze %dma_wait3A_478 : memref<1x128x128xf32, #tpu.memory_space<vmem_shared>> -> memref<128x128xf32, #tpu.memory_space<vmem_shared>>
    %dma_wait3A_480 = arith.constant 0 : i32
    %dma_wait3A_481 = arith.constant 0 : i32
    %dma_wait3A_482 = tpu.memref_slice %arg6[%dma_wait3A_467, %dma_wait3A_480, %dma_wait3A_481] : memref<5x128x128xf32, #tpu.memory_space<vmem>> -> memref<1x128x128xf32, #tpu.memory_space<vmem>>
    %dma_wait3A_483 = tpu.memref_squeeze %dma_wait3A_482 : memref<1x128x128xf32, #tpu.memory_space<vmem>> -> memref<128x128xf32, #tpu.memory_space<vmem>>
    tpu.wait_dma2 semaphore(%arg13 : memref<!tpu.dma_semaphore, #tpu.memory_space<semaphore_mem>>) src(%dma_wait3A_483 : memref<128x128xf32, #tpu.memory_space<vmem>>) dst(%dma_wait3A_479 : memref<128x128xf32, #tpu.memory_space<vmem_shared>>)
    %dma_wait3A_484 = arith.constant 3 : i32
    %dma_wait3A_485 = arith.constant 0 : i32
    %dma_wait3A_486 = arith.constant 0 : i32
    %dma_wait3A_487 = tpu.memref_slice %arg6[%dma_wait3A_484, %dma_wait3A_485, %dma_wait3A_486] : memref<5x128x128xf32, #tpu.memory_space<vmem>> -> memref<1x128x128xf32, #tpu.memory_space<vmem>>
    %dma_wait3A_488 = tpu.memref_squeeze %dma_wait3A_487 : memref<1x128x128xf32, #tpu.memory_space<vmem>> -> memref<128x128xf32, #tpu.memory_space<vmem>>
    %dma_wait3A_489 = arith.constant 0 : i32
    %dma_wait3A_490 = arith.constant 0 : i32
    %dma_wait3A_491 = tpu.memref_slice %arg2[%dma_wait3A_489, %dma_wait3A_490] : memref<100000x128xf32, #tpu.memory_space<hbm>> -> memref<128x128xf32, #tpu.memory_space<hbm>>
    %dma_wait3A_492 = arith.constant 0 : i32
    %dma_wait3A_493 = arith.constant 0 : i32
    %dma_wait3A_494 = tpu.memref_slice %arg6[%dma_wait3A_484, %dma_wait3A_492, %dma_wait3A_493] : memref<5x128x128xf32, #tpu.memory_space<vmem>> -> memref<1x128x128xf32, #tpu.memory_space<vmem>>
    %dma_wait3A_495 = tpu.memref_squeeze %dma_wait3A_494 : memref<1x128x128xf32, #tpu.memory_space<vmem>> -> memref<128x128xf32, #tpu.memory_space<vmem>>
    %dma_wait3A_496 = arith.constant 0 : i32
    %dma_wait3A_497 = arith.constant 0 : i32
    %dma_wait3A_498 = tpu.memref_slice %arg2[%dma_wait3A_496, %dma_wait3A_497] : memref<100000x128xf32, #tpu.memory_space<hbm>> -> memref<128x128xf32, #tpu.memory_space<hbm>>
    tpu.wait_dma2 semaphore(%arg11 : memref<!tpu.dma_semaphore, #tpu.memory_space<semaphore_mem>>) src(%dma_wait3A_498 : memref<128x128xf32, #tpu.memory_space<hbm>>) dst(%dma_wait3A_495 : memref<128x128xf32, #tpu.memory_space<vmem>>)
    %dma_start3A_499 = arith.constant 3 : i32
    %dma_start3A_500 = arith.constant 0 : i32
    %dma_start3A_501 = arith.constant 0 : i32
    %dma_start3A_502 = tpu.memref_slice %arg6[%dma_start3A_499, %dma_start3A_500, %dma_start3A_501] : memref<5x128x128xf32, #tpu.memory_space<vmem>> -> memref<1x128x128xf32, #tpu.memory_space<vmem>>
    %dma_start3A_503 = tpu.memref_squeeze %dma_start3A_502 : memref<1x128x128xf32, #tpu.memory_space<vmem>> -> memref<128x128xf32, #tpu.memory_space<vmem>>
    %dma_start3A_504 = arith.constant 0 : i32
    %dma_start3A_505 = arith.constant 0 : i32
    %dma_start3A_506 = tpu.memref_slice %arg7[%arg1, %dma_start3A_504, %dma_start3A_505] : memref<16x128x128xf32, #tpu.memory_space<vmem_shared>> -> memref<1x128x128xf32, #tpu.memory_space<vmem_shared>>
    %dma_start3A_507 = tpu.memref_squeeze %dma_start3A_506 : memref<1x128x128xf32, #tpu.memory_space<vmem_shared>> -> memref<128x128xf32, #tpu.memory_space<vmem_shared>>
    %dma_start3A_508 = arith.constant 0 : i32
    %dma_start3A_509 = arith.constant 0 : i32
    %dma_start3A_510 = tpu.memref_slice %arg7[%arg1, %dma_start3A_508, %dma_start3A_509] : memref<16x128x128xf32, #tpu.memory_space<vmem_shared>> -> memref<1x128x128xf32, #tpu.memory_space<vmem_shared>>
    %dma_start3A_511 = tpu.memref_squeeze %dma_start3A_510 : memref<1x128x128xf32, #tpu.memory_space<vmem_shared>> -> memref<128x128xf32, #tpu.memory_space<vmem_shared>>
    %dma_start3A_512 = arith.constant 0 : i32
    %dma_start3A_513 = arith.constant 0 : i32
    %dma_start3A_514 = tpu.memref_slice %arg6[%dma_start3A_499, %dma_start3A_512, %dma_start3A_513] : memref<5x128x128xf32, #tpu.memory_space<vmem>> -> memref<1x128x128xf32, #tpu.memory_space<vmem>>
    %dma_start3A_515 = tpu.memref_squeeze %dma_start3A_514 : memref<1x128x128xf32, #tpu.memory_space<vmem>> -> memref<128x128xf32, #tpu.memory_space<vmem>>
    tpu.enqueue_dma source(%dma_start3A_515 : memref<128x128xf32, #tpu.memory_space<vmem>>) target(%dma_start3A_511 : memref<128x128xf32, #tpu.memory_space<vmem_shared>>) target_semaphore(%arg16 : memref<!tpu.dma_semaphore, #tpu.memory_space<semaphore_mem>>)
    %dma_wait3A_516 = arith.constant 1 : i32
    %dma_wait3A_517 = arith.constant 0 : i32
    %dma_wait3A_518 = arith.constant 0 : i32
    %dma_wait3A_519 = tpu.memref_slice %arg6[%dma_wait3A_516, %dma_wait3A_517, %dma_wait3A_518] : memref<5x128x128xf32, #tpu.memory_space<vmem>> -> memref<1x128x128xf32, #tpu.memory_space<vmem>>
    %dma_wait3A_520 = tpu.memref_squeeze %dma_wait3A_519 : memref<1x128x128xf32, #tpu.memory_space<vmem>> -> memref<128x128xf32, #tpu.memory_space<vmem>>
    %dma_wait3A_521 = arith.constant 0 : i32
    %dma_wait3A_522 = arith.constant 0 : i32
    %dma_wait3A_523 = tpu.memref_slice %arg7[%arg1, %dma_wait3A_521, %dma_wait3A_522] : memref<16x128x128xf32, #tpu.memory_space<vmem_shared>> -> memref<1x128x128xf32, #tpu.memory_space<vmem_shared>>
    %dma_wait3A_524 = tpu.memref_squeeze %dma_wait3A_523 : memref<1x128x128xf32, #tpu.memory_space<vmem_shared>> -> memref<128x128xf32, #tpu.memory_space<vmem_shared>>
    %dma_wait3A_525 = arith.constant 0 : i32
    %dma_wait3A_526 = arith.constant 0 : i32
    %dma_wait3A_527 = tpu.memref_slice %arg7[%arg1, %dma_wait3A_525, %dma_wait3A_526] : memref<16x128x128xf32, #tpu.memory_space<vmem_shared>> -> memref<1x128x128xf32, #tpu.memory_space<vmem_shared>>
    %dma_wait3A_528 = tpu.memref_squeeze %dma_wait3A_527 : memref<1x128x128xf32, #tpu.memory_space<vmem_shared>> -> memref<128x128xf32, #tpu.memory_space<vmem_shared>>
    %dma_wait3A_529 = arith.constant 0 : i32
    %dma_wait3A_530 = arith.constant 0 : i32
    %dma_wait3A_531 = tpu.memref_slice %arg6[%dma_wait3A_516, %dma_wait3A_529, %dma_wait3A_530] : memref<5x128x128xf32, #tpu.memory_space<vmem>> -> memref<1x128x128xf32, #tpu.memory_space<vmem>>
    %dma_wait3A_532 = tpu.memref_squeeze %dma_wait3A_531 : memref<1x128x128xf32, #tpu.memory_space<vmem>> -> memref<128x128xf32, #tpu.memory_space<vmem>>
    tpu.wait_dma2 semaphore(%arg14 : memref<!tpu.dma_semaphore, #tpu.memory_space<semaphore_mem>>) src(%dma_wait3A_532 : memref<128x128xf32, #tpu.memory_space<vmem>>) dst(%dma_wait3A_528 : memref<128x128xf32, #tpu.memory_space<vmem_shared>>)
    %dma_wait3A_533 = arith.constant 4 : i32
    %dma_wait3A_534 = arith.constant 0 : i32
    %dma_wait3A_535 = arith.constant 0 : i32
    %dma_wait3A_536 = tpu.memref_slice %arg6[%dma_wait3A_533, %dma_wait3A_534, %dma_wait3A_535] : memref<5x128x128xf32, #tpu.memory_space<vmem>> -> memref<1x128x128xf32, #tpu.memory_space<vmem>>
    %dma_wait3A_537 = tpu.memref_squeeze %dma_wait3A_536 : memref<1x128x128xf32, #tpu.memory_space<vmem>> -> memref<128x128xf32, #tpu.memory_space<vmem>>
    %dma_wait3A_538 = arith.constant 0 : i32
    %dma_wait3A_539 = arith.constant 0 : i32
    %dma_wait3A_540 = tpu.memref_slice %arg2[%dma_wait3A_538, %dma_wait3A_539] : memref<100000x128xf32, #tpu.memory_space<hbm>> -> memref<128x128xf32, #tpu.memory_space<hbm>>
    %dma_wait3A_541 = arith.constant 0 : i32
    %dma_wait3A_542 = arith.constant 0 : i32
    %dma_wait3A_543 = tpu.memref_slice %arg6[%dma_wait3A_533, %dma_wait3A_541, %dma_wait3A_542] : memref<5x128x128xf32, #tpu.memory_space<vmem>> -> memref<1x128x128xf32, #tpu.memory_space<vmem>>
    %dma_wait3A_544 = tpu.memref_squeeze %dma_wait3A_543 : memref<1x128x128xf32, #tpu.memory_space<vmem>> -> memref<128x128xf32, #tpu.memory_space<vmem>>
    %dma_wait3A_545 = arith.constant 0 : i32
    %dma_wait3A_546 = arith.constant 0 : i32
    %dma_wait3A_547 = tpu.memref_slice %arg2[%dma_wait3A_545, %dma_wait3A_546] : memref<100000x128xf32, #tpu.memory_space<hbm>> -> memref<128x128xf32, #tpu.memory_space<hbm>>
    tpu.wait_dma2 semaphore(%arg12 : memref<!tpu.dma_semaphore, #tpu.memory_space<semaphore_mem>>) src(%dma_wait3A_547 : memref<128x128xf32, #tpu.memory_space<hbm>>) dst(%dma_wait3A_544 : memref<128x128xf32, #tpu.memory_space<vmem>>)
    %dma_start3A_548 = arith.constant 4 : i32
    %dma_start3A_549 = arith.constant 0 : i32
    %dma_start3A_550 = arith.constant 0 : i32
    %dma_start3A_551 = tpu.memref_slice %arg6[%dma_start3A_548, %dma_start3A_549, %dma_start3A_550] : memref<5x128x128xf32, #tpu.memory_space<vmem>> -> memref<1x128x128xf32, #tpu.memory_space<vmem>>
    %dma_start3A_552 = tpu.memref_squeeze %dma_start3A_551 : memref<1x128x128xf32, #tpu.memory_space<vmem>> -> memref<128x128xf32, #tpu.memory_space<vmem>>
    %dma_start3A_553 = arith.constant 0 : i32
    %dma_start3A_554 = arith.constant 0 : i32
    %dma_start3A_555 = tpu.memref_slice %arg7[%arg1, %dma_start3A_553, %dma_start3A_554] : memref<16x128x128xf32, #tpu.memory_space<vmem_shared>> -> memref<1x128x128xf32, #tpu.memory_space<vmem_shared>>
    %dma_start3A_556 = tpu.memref_squeeze %dma_start3A_555 : memref<1x128x128xf32, #tpu.memory_space<vmem_shared>> -> memref<128x128xf32, #tpu.memory_space<vmem_shared>>
    %dma_start3A_557 = arith.constant 0 : i32
    %dma_start3A_558 = arith.constant 0 : i32
    %dma_start3A_559 = tpu.memref_slice %arg7[%arg1, %dma_start3A_557, %dma_start3A_558] : memref<16x128x128xf32, #tpu.memory_space<vmem_shared>> -> memref<1x128x128xf32, #tpu.memory_space<vmem_shared>>
    %dma_start3A_560 = tpu.memref_squeeze %dma_start3A_559 : memref<1x128x128xf32, #tpu.memory_space<vmem_shared>> -> memref<128x128xf32, #tpu.memory_space<vmem_shared>>
    %dma_start3A_561 = arith.constant 0 : i32
    %dma_start3A_562 = arith.constant 0 : i32
    %dma_start3A_563 = tpu.memref_slice %arg6[%dma_start3A_548, %dma_start3A_561, %dma_start3A_562] : memref<5x128x128xf32, #tpu.memory_space<vmem>> -> memref<1x128x128xf32, #tpu.memory_space<vmem>>
    %dma_start3A_564 = tpu.memref_squeeze %dma_start3A_563 : memref<1x128x128xf32, #tpu.memory_space<vmem>> -> memref<128x128xf32, #tpu.memory_space<vmem>>
    tpu.enqueue_dma source(%dma_start3A_564 : memref<128x128xf32, #tpu.memory_space<vmem>>) target(%dma_start3A_560 : memref<128x128xf32, #tpu.memory_space<vmem_shared>>) target_semaphore(%arg17 : memref<!tpu.dma_semaphore, #tpu.memory_space<semaphore_mem>>)
    %dma_wait3A_565 = arith.constant 2 : i32
    %dma_wait3A_566 = arith.constant 0 : i32
    %dma_wait3A_567 = arith.constant 0 : i32
    %dma_wait3A_568 = tpu.memref_slice %arg6[%dma_wait3A_565, %dma_wait3A_566, %dma_wait3A_567] : memref<5x128x128xf32, #tpu.memory_space<vmem>> -> memref<1x128x128xf32, #tpu.memory_space<vmem>>
    %dma_wait3A_569 = tpu.memref_squeeze %dma_wait3A_568 : memref<1x128x128xf32, #tpu.memory_space<vmem>> -> memref<128x128xf32, #tpu.memory_space<vmem>>
    %dma_wait3A_570 = arith.constant 0 : i32
    %dma_wait3A_571 = arith.constant 0 : i32
    %dma_wait3A_572 = tpu.memref_slice %arg7[%arg1, %dma_wait3A_570, %dma_wait3A_571] : memref<16x128x128xf32, #tpu.memory_space<vmem_shared>> -> memref<1x128x128xf32, #tpu.memory_space<vmem_shared>>
    %dma_wait3A_573 = tpu.memref_squeeze %dma_wait3A_572 : memref<1x128x128xf32, #tpu.memory_space<vmem_shared>> -> memref<128x128xf32, #tpu.memory_space<vmem_shared>>
    %dma_wait3A_574 = arith.constant 0 : i32
    %dma_wait3A_575 = arith.constant 0 : i32
    %dma_wait3A_576 = tpu.memref_slice %arg7[%arg1, %dma_wait3A_574, %dma_wait3A_575] : memref<16x128x128xf32, #tpu.memory_space<vmem_shared>> -> memref<1x128x128xf32, #tpu.memory_space<vmem_shared>>
    %dma_wait3A_577 = tpu.memref_squeeze %dma_wait3A_576 : memref<1x128x128xf32, #tpu.memory_space<vmem_shared>> -> memref<128x128xf32, #tpu.memory_space<vmem_shared>>
    %dma_wait3A_578 = arith.constant 0 : i32
    %dma_wait3A_579 = arith.constant 0 : i32
    %dma_wait3A_580 = tpu.memref_slice %arg6[%dma_wait3A_565, %dma_wait3A_578, %dma_wait3A_579] : memref<5x128x128xf32, #tpu.memory_space<vmem>> -> memref<1x128x128xf32, #tpu.memory_space<vmem>>
    %dma_wait3A_581 = tpu.memref_squeeze %dma_wait3A_580 : memref<1x128x128xf32, #tpu.memory_space<vmem>> -> memref<128x128xf32, #tpu.memory_space<vmem>>
    tpu.wait_dma2 semaphore(%arg15 : memref<!tpu.dma_semaphore, #tpu.memory_space<semaphore_mem>>) src(%dma_wait3A_581 : memref<128x128xf32, #tpu.memory_space<vmem>>) dst(%dma_wait3A_577 : memref<128x128xf32, #tpu.memory_space<vmem_shared>>)
    %dma_wait3A_582 = arith.constant 3 : i32
    %dma_wait3A_583 = arith.constant 0 : i32
    %dma_wait3A_584 = arith.constant 0 : i32
    %dma_wait3A_585 = tpu.memref_slice %arg6[%dma_wait3A_582, %dma_wait3A_583, %dma_wait3A_584] : memref<5x128x128xf32, #tpu.memory_space<vmem>> -> memref<1x128x128xf32, #tpu.memory_space<vmem>>
    %dma_wait3A_586 = tpu.memref_squeeze %dma_wait3A_585 : memref<1x128x128xf32, #tpu.memory_space<vmem>> -> memref<128x128xf32, #tpu.memory_space<vmem>>
    %dma_wait3A_587 = arith.constant 0 : i32
    %dma_wait3A_588 = arith.constant 0 : i32
    %dma_wait3A_589 = tpu.memref_slice %arg7[%arg1, %dma_wait3A_587, %dma_wait3A_588] : memref<16x128x128xf32, #tpu.memory_space<vmem_shared>> -> memref<1x128x128xf32, #tpu.memory_space<vmem_shared>>
    %dma_wait3A_590 = tpu.memref_squeeze %dma_wait3A_589 : memref<1x128x128xf32, #tpu.memory_space<vmem_shared>> -> memref<128x128xf32, #tpu.memory_space<vmem_shared>>
    %dma_wait3A_591 = arith.constant 0 : i32
    %dma_wait3A_592 = arith.constant 0 : i32
    %dma_wait3A_593 = tpu.memref_slice %arg7[%arg1, %dma_wait3A_591, %dma_wait3A_592] : memref<16x128x128xf32, #tpu.memory_space<vmem_shared>> -> memref<1x128x128xf32, #tpu.memory_space<vmem_shared>>
    %dma_wait3A_594 = tpu.memref_squeeze %dma_wait3A_593 : memref<1x128x128xf32, #tpu.memory_space<vmem_shared>> -> memref<128x128xf32, #tpu.memory_space<vmem_shared>>
    %dma_wait3A_595 = arith.constant 0 : i32
    %dma_wait3A_596 = arith.constant 0 : i32
    %dma_wait3A_597 = tpu.memref_slice %arg6[%dma_wait3A_582, %dma_wait3A_595, %dma_wait3A_596] : memref<5x128x128xf32, #tpu.memory_space<vmem>> -> memref<1x128x128xf32, #tpu.memory_space<vmem>>
    %dma_wait3A_598 = tpu.memref_squeeze %dma_wait3A_597 : memref<1x128x128xf32, #tpu.memory_space<vmem>> -> memref<128x128xf32, #tpu.memory_space<vmem>>
    tpu.wait_dma2 semaphore(%arg16 : memref<!tpu.dma_semaphore, #tpu.memory_space<semaphore_mem>>) src(%dma_wait3A_598 : memref<128x128xf32, #tpu.memory_space<vmem>>) dst(%dma_wait3A_594 : memref<128x128xf32, #tpu.memory_space<vmem_shared>>)
    %dma_wait3A_599 = arith.constant 4 : i32
    %dma_wait3A_600 = arith.constant 0 : i32
    %dma_wait3A_601 = arith.constant 0 : i32
    %dma_wait3A_602 = tpu.memref_slice %arg6[%dma_wait3A_599, %dma_wait3A_600, %dma_wait3A_601] : memref<5x128x128xf32, #tpu.memory_space<vmem>> -> memref<1x128x128xf32, #tpu.memory_space<vmem>>
    %dma_wait3A_603 = tpu.memref_squeeze %dma_wait3A_602 : memref<1x128x128xf32, #tpu.memory_space<vmem>> -> memref<128x128xf32, #tpu.memory_space<vmem>>
    %dma_wait3A_604 = arith.constant 0 : i32
    %dma_wait3A_605 = arith.constant 0 : i32
    %dma_wait3A_606 = tpu.memref_slice %arg7[%arg1, %dma_wait3A_604, %dma_wait3A_605] : memref<16x128x128xf32, #tpu.memory_space<vmem_shared>> -> memref<1x128x128xf32, #tpu.memory_space<vmem_shared>>
    %dma_wait3A_607 = tpu.memref_squeeze %dma_wait3A_606 : memref<1x128x128xf32, #tpu.memory_space<vmem_shared>> -> memref<128x128xf32, #tpu.memory_space<vmem_shared>>
    %dma_wait3A_608 = arith.constant 0 : i32
    %dma_wait3A_609 = arith.constant 0 : i32
    %dma_wait3A_610 = tpu.memref_slice %arg7[%arg1, %dma_wait3A_608, %dma_wait3A_609] : memref<16x128x128xf32, #tpu.memory_space<vmem_shared>> -> memref<1x128x128xf32, #tpu.memory_space<vmem_shared>>
    %dma_wait3A_611 = tpu.memref_squeeze %dma_wait3A_610 : memref<1x128x128xf32, #tpu.memory_space<vmem_shared>> -> memref<128x128xf32, #tpu.memory_space<vmem_shared>>
    %dma_wait3A_612 = arith.constant 0 : i32
    %dma_wait3A_613 = arith.constant 0 : i32
    %dma_wait3A_614 = tpu.memref_slice %arg6[%dma_wait3A_599, %dma_wait3A_612, %dma_wait3A_613] : memref<5x128x128xf32, #tpu.memory_space<vmem>> -> memref<1x128x128xf32, #tpu.memory_space<vmem>>
    %dma_wait3A_615 = tpu.memref_squeeze %dma_wait3A_614 : memref<1x128x128xf32, #tpu.memory_space<vmem>> -> memref<128x128xf32, #tpu.memory_space<vmem>>
    tpu.wait_dma2 semaphore(%arg17 : memref<!tpu.dma_semaphore, #tpu.memory_space<semaphore_mem>>) src(%dma_wait3A_615 : memref<128x128xf32, #tpu.memory_space<vmem>>) dst(%dma_wait3A_611 : memref<128x128xf32, #tpu.memory_space<vmem_shared>>)
    %run_scoped3A = arith.constant 0 : i32
    "tpu.region"() ({
      %run_scoped3A_616 = tpu.sem_alloc : memref<!tpu.dma_semaphore, #tpu.memory_space<semaphore_mem>>
      %dma_start3A_617 = arith.constant 0 : i32
      %dma_start3A_618 = arith.constant 0 : i32
      %dma_start3A_619 = tpu.memref_slice %arg6[%run_scoped3A, %dma_start3A_617, %dma_start3A_618] : memref<5x128x128xf32, #tpu.memory_space<vmem>> -> memref<1x128x128xf32, #tpu.memory_space<vmem>>
      %dma_start3A_620 = tpu.memref_squeeze %dma_start3A_619 : memref<1x128x128xf32, #tpu.memory_space<vmem>> -> memref<128x128xf32, #tpu.memory_space<vmem>>
      %dma_start3A_621 = arith.constant 0 : i32
      %dma_start3A_622 = tpu.memref_slice %arg4[%mul3A_2, %dma_start3A_621] : memref<819200x128xf32, #tpu.memory_space<hbm>> -> memref<128x128xf32, #tpu.memory_space<hbm>>
      %dma_start3A_623 = arith.constant 0 : i32
      %dma_start3A_624 = tpu.memref_slice %arg4[%mul3A_2, %dma_start3A_623] : memref<819200x128xf32, #tpu.memory_space<hbm>> -> memref<128x128xf32, #tpu.memory_space<hbm>>
      %dma_start3A_625 = arith.constant 0 : i32
      %dma_start3A_626 = arith.constant 0 : i32
      %dma_start3A_627 = tpu.memref_slice %arg6[%run_scoped3A, %dma_start3A_625, %dma_start3A_626] : memref<5x128x128xf32, #tpu.memory_space<vmem>> -> memref<1x128x128xf32, #tpu.memory_space<vmem>>
      %dma_start3A_628 = tpu.memref_squeeze %dma_start3A_627 : memref<1x128x128xf32, #tpu.memory_space<vmem>> -> memref<128x128xf32, #tpu.memory_space<vmem>>
      tpu.enqueue_dma source(%dma_start3A_628 : memref<128x128xf32, #tpu.memory_space<vmem>>) target(%dma_start3A_624 : memref<128x128xf32, #tpu.memory_space<hbm>>) target_semaphore(%run_scoped3A_616 : memref<!tpu.dma_semaphore, #tpu.memory_space<semaphore_mem>>)
      %dma_wait3A_629 = arith.constant 0 : i32
      %dma_wait3A_630 = arith.constant 0 : i32
      %dma_wait3A_631 = tpu.memref_slice %arg6[%run_scoped3A, %dma_wait3A_629, %dma_wait3A_630] : memref<5x128x128xf32, #tpu.memory_space<vmem>> -> memref<1x128x128xf32, #tpu.memory_space<vmem>>
      %dma_wait3A_632 = tpu.memref_squeeze %dma_wait3A_631 : memref<1x128x128xf32, #tpu.memory_space<vmem>> -> memref<128x128xf32, #tpu.memory_space<vmem>>
      %dma_wait3A_633 = arith.constant 0 : i32
      %dma_wait3A_634 = tpu.memref_slice %arg4[%mul3A_2, %dma_wait3A_633] : memref<819200x128xf32, #tpu.memory_space<hbm>> -> memref<128x128xf32, #tpu.memory_space<hbm>>
      %dma_wait3A_635 = arith.constant 0 : i32
      %dma_wait3A_636 = tpu.memref_slice %arg4[%mul3A_2, %dma_wait3A_635] : memref<819200x128xf32, #tpu.memory_space<hbm>> -> memref<128x128xf32, #tpu.memory_space<hbm>>
      %dma_wait3A_637 = arith.constant 0 : i32
      %dma_wait3A_638 = arith.constant 0 : i32
      %dma_wait3A_639 = tpu.memref_slice %arg6[%run_scoped3A, %dma_wait3A_637, %dma_wait3A_638] : memref<5x128x128xf32, #tpu.memory_space<vmem>> -> memref<1x128x128xf32, #tpu.memory_space<vmem>>
      %dma_wait3A_640 = tpu.memref_squeeze %dma_wait3A_639 : memref<1x128x128xf32, #tpu.memory_space<vmem>> -> memref<128x128xf32, #tpu.memory_space<vmem>>
      tpu.wait_dma2 semaphore(%run_scoped3A_616 : memref<!tpu.dma_semaphore, #tpu.memory_space<semaphore_mem>>) src(%dma_wait3A_640 : memref<128x128xf32, #tpu.memory_space<vmem>>) dst(%dma_wait3A_636 : memref<128x128xf32, #tpu.memory_space<hbm>>)
      tpu.yield
    }) : () -> ()
    return
  }
}

</mosaic_0001>

<sc_bundles>
// kernel: kernel.3.cloned.1.call-start
scs
__scs_entry_jumppad:
0x0: {  	(pc) =	sbr.rel $0x88, $3  }
0x1: {  	(tag) =	ssettag $0x0;
	lr =	simm.s32 $0x1  }
0x2: {  	[smem:$0x3F9F] =	sst lr;
	_ =	strace $0xD0000000  }
0x3: {  	_ = 	snop  }
0x4: {  	_ = 	snop  }
0x5: {  	_ = 	snop  }
0x6: {  	_ = 	snop  }
0x7: {  	_ = 	snop  }
__scs_overlays_trampoline_lowered:
0x8: {  	[smem:$0x3FAE] =	sst s0  }
0x9: {  	[smem:$0x3FAF] =	sst s1  }
0xa: {  	[smem:$0x3FB0] =	sst s2  }
0xb: {  	[smem:$0x3FB1] =	sst s3  }
0xc: {  	[smem:$0x3FB2] =	sst s4  }
0xd: {  	[smem:$0x3FB3] =	sst s5  }
0xe: {  	[smem:$0x3FB4] =	sst s6  }
0xf: {  	[smem:$0x3FB5] =	sst s7  }
0x10: {  	[smem:$0x3FB6] =	sst s8  }
0x11: {  	[smem:$0x3FB7] =	sst s9;
	s0 =	simm.s32 @!p0 $0x0  }
0x12: {  	s1 =	sld [smem:$0x3F9D];
	s0 =	simm.s32 @p0 $0x1  }
0x13: {  	[smem:$0x3FB8] =	sst s0;
	s0 =	simm.s32 @!p1 $0x0  }
0x14: {  	s2 =	sld [smem:$0x3F9C];
	s0 =	simm.s32 @p1 $0x1  }
0x15: {  	[smem:$0x3FB9] =	sst s0;
	s0 =	simm.s32 @!p2 $0x0  }
0x16: {  	s3 =	sld [smem:$0x3FDB];
	s0 =	simm.s32 @p2 $0x1  }
0x17: {  	s4 =	simm.s32 $0x1BF5;
	[smem:$0x3FBB] =	sst s0  }
0x18: {  	s0 =	sld [smem:$0x3F9E];
	_ =	swait.ge [sflag:s4], $0x0  }
0x19: {  	s7 =	sld [smem:$0x3F9F]  }
0x1a: {  	s8 =	sadd.s32 $0xFFFFE003, lr  }
0x1b: {  	s9 =	sadd.s32 $0xFFFFFEF7, lr;
	s5 =	simm.s32 $0xFFFFFFFF;
	p2 =	slt.u32 s8, $0xFFFFF086  }
0x1c: {  	p1 =	slt.u32 s9, $0xF7A;
	s5 =	simm.s32 @!p2 $0x0  }
0x1d: {  	s5 =	simm.s32 @p1 $0x1;
	p0 =	seq.s32 s7, s2  }
0x1e: {  	s7 =	smul.u32 @!p0 $0xF7A, s2;
	p2 =	seq.s32 @!p0 s5, $0x0  }
0x1f: {  	s9 =	smul.u32 $0xF7A, s1;
	s8 =	simm.s32 @!p0 $0x1BF5;
	p2 =	por !p2, p0  }
0x20: {  	[sflag:s8] =	ssyncset.s32 @!p0 $0xFFFFF086;
	s6 =	sadd.s32 @!p0 s3, s7;
	s7 =	simm.s32 @!p0 $0x108  }
0x21: {  	s3 =	sadd.s32 s3, s9;
	s6 =	sadd.s32 @!p0 $0x88, s6;
	s7 =	simm.s32 @p2 $0x1082  }
0x22: {  	[simem:s7], [sflag:s8] =	dma.local @!p0 [hbm:s6], $0xF7A  }
0x23: {  	s9 =	sor.u32 $0xD0000000, s2;
	s6 =	simm.s32 $0x108;
	_ =	swait.ge @!p0 [sflag:s8], $0x0  }
0x24: {  	s3 =	sadd.s32 $0x88, s3;
	s6 =	simm.s32 @!p1 $0x1082;
	[sflag:s4] =	ssyncset.s32 $0xFFFFF086  }
0x25: {  	[simem:s6], [sflag:s4] =	dma.local [hbm:s3], $0xF7A  }
0x26: {  	[smem:$0x3F9F] =	sst s1;
	(tag) =	ssettag s2;
	_ =	strace s9  }
0x27: {  	s1 =	sld [smem:$0x3FAF]  }
0x28: {  	s2 =	sld [smem:$0x3FB0]  }
0x29: {  	s4 =	sld [smem:$0x3FB2]  }
0x2a: {  	p0 =	seq.s32 s5, $0x0;
	s5 =	sld [smem:$0x3FB3]  }
0x2b: {  	s6 =	sld [smem:$0x3FB4]  }
0x2c: {  	s7 =	sld [smem:$0x3FB5]  }
0x2d: {  	s3 =	simm.s32 $0x108;
	s8 =	sld [smem:$0x3FB6]  }
0x2e: {  	s3 =	simm.s32 @!p0 $0x1082;
	s9 =	sld [smem:$0x3FB7]  }
0x2f: {  	lr =	sadd.s32 s0, s3;
	s0 =	sld [smem:$0x3FAE]  }
0x30: {  	s3 =	sld [smem:$0x3FB1]  }
0x31: {  	[smem:$0x3FBA] =	sst s10  }
0x32: {  	s10 =	sld [smem:$0x3FB8];
	_ =	sdelay $0x3  }
0x33: {  	p0 =	seq.s32 s10, $0x1;
	s10 =	sld [smem:$0x3FBA];
	_ =	sdelay $0x3  }
0x34: {  	[smem:$0x3FBA] =	sst s10  }
0x35: {  	s10 =	sld [smem:$0x3FB9];
	_ =	sdelay $0x3  }
0x36: {  	p1 =	seq.s32 s10, $0x1;
	s10 =	sld [smem:$0x3FBA];
	_ =	sdelay $0x3  }
0x37: {  	[smem:$0x3FBA] =	sst s10  }
0x38: {  	s10 =	sld [smem:$0x3FBB]  }
0x39: {  	_ = 	snop;
	(pc) =	sbr.ind lr, $3  }
0x3a: {  	_ = 	snop  }
0x3b: {  	_ = 	snop  }
0x3c: {  	p2 =	seq.s32 s10, $0x1;
	s10 =	sld [smem:$0x3FBA]  }
0x3d: {  	_ =	shalt  }
0x3e: {  	_ =	shalt  }
0x3f: {  	_ =	shalt  }
0x40: {  	_ =	shalt  }
0x41: {  	_ =	shalt  }
0x42: {  	_ =	shalt  }
0x43: {  	_ =	shalt  }
0x44: {  	_ =	shalt  }
0x45: {  	_ =	shalt  }
0x46: {  	_ =	shalt  }
0x47: {  	_ =	shalt  }
0x48: {  	_ =	shalt  }
0x49: {  	_ =	shalt  }
0x4a: {  	_ =	shalt  }
0x4b: {  	_ =	shalt  }
0x4c: {  	_ =	shalt  }
0x4d: {  	_ =	shalt  }
0x4e: {  	_ =	shalt  }
0x4f: {  	_ =	shalt  }
0x50: {  	_ =	shalt  }
0x51: {  	_ =	shalt  }
0x52: {  	_ =	shalt  }
0x53: {  	_ =	shalt  }
0x54: {  	_ =	shalt  }
0x55: {  	_ =	shalt  }
0x56: {  	_ =	shalt  }
0x57: {  	_ =	shalt  }
0x58: {  	_ =	shalt  }
0x59: {  	_ =	shalt  }
0x5a: {  	_ =	shalt  }
0x5b: {  	_ =	shalt  }
0x5c: {  	_ =	shalt  }
0x5d: {  	_ =	shalt  }
0x5e: {  	_ =	shalt  }
0x5f: {  	_ =	shalt  }
0x60: {  	_ =	shalt  }
0x61: {  	_ =	shalt  }
0x62: {  	_ =	shalt  }
0x63: {  	_ =	shalt  }
0x64: {  	_ =	shalt  }
0x65: {  	_ =	shalt  }
0x66: {  	_ =	shalt  }
0x67: {  	_ =	shalt  }
0x68: {  	_ =	shalt  }
0x69: {  	_ =	shalt  }
0x6a: {  	_ =	shalt  }
0x6b: {  	_ =	shalt  }
0x6c: {  	_ =	shalt  }
0x6d: {  	_ =	shalt  }
0x6e: {  	_ =	shalt  }
0x6f: {  	_ =	shalt  }
0x70: {  	_ =	shalt  }
0x71: {  	_ =	shalt  }
0x72: {  	_ =	shalt  }
0x73: {  	_ =	shalt  }
0x74: {  	_ =	shalt  }
0x75: {  	_ =	shalt  }
0x76: {  	_ =	shalt  }
0x77: {  	_ =	shalt  }
0x78: {  	_ =	shalt  }
0x79: {  	_ =	shalt  }
0x7a: {  	_ =	shalt  }
0x7b: {  	_ =	shalt  }
0x7c: {  	_ =	shalt  }
0x7d: {  	_ =	shalt  }
0x7e: {  	_ =	shalt  }
0x7f: {  	_ =	shalt  }
0x80: {  	_ =	shalt  }
0x81: {  	_ =	shalt  }
0x82: {  	_ =	shalt  }
0x83: {  	_ =	shalt  }
0x84: {  	_ =	shalt  }
0x85: {  	_ =	shalt  }
0x86: {  	_ =	shalt  }
0x87: {  	_ =	shalt  }
.Lfunc_end0:
.L_simem_size_0:
called_computation_lowered:
.L_overlay_start_0:
0x88: {  	s2 =	sld [smem:$0x3FD9]  }
0x89: {  	s3 =	sld [smem:$0x3FFE];
	_ =	sdelay $0x1  }
0x8a: {  	s1 =	srdreg.scid  }
0x8b: {  	s0 =	sand.u32 $0x1, s1  }
0x8c: {  	s17 =	sshll.u32 s0, $0xA;
	s2 =	sadd.s32 s3, s2  }
0x8d: {  	s2 =	sadd.s32 s2, s17  }
0x8e: {  	[smem:$0x3FC6] =	sst s2  }
0x8f: {  	_ = 	snop  }
0x90: {  	s2 =	sld [smem:$0x3FC8]  }
0x91: {  	s18 =	sld [smem:$0x3FD0];
	(tm) =	ssettm $0x1  }
0x92: {  	s4 =	sld [smem:$0x3FFB];
	_ =	sdelay $0x3  }
0x93: {  	_ =	strace s4  }
0x94: {  	s4 =	sld [smem:$0x3FFC];
	_ =	sdelay $0x3  }
0x95: {  	_ =	strace s4  }
0x96: {  	s4 =	sld [smem:$0x3FFD];
	_ =	sdelay $0x3  }
0x97: {  	_ =	strace s4  }
0x98: {  	_ =	strace $0x8FFFFFFF  }
0x99: {  	s19 =	sld [smem:$0x3FDB];
	_ =	sdelay $0x1  }
0x9a: {  	s5 =	simm.s32 $_scs_section_size  }
0x9b: {  	s6 =	simm.s32 $_size__tile_overlayer_lowered;
	s7 =	simm.s32 $_tile_overlayer_lowered  }
0x9c: {  	s22 =	simm.s32 $0x1BFF;
	s21 =	sshll.u32 s7, $0x1;
	s4 =	sadd.s32 s5, s19  }
0x9d: {  	s8 =	simm.s32 $0x0;
	s20 =	sshll.u32 s6, $0x1;
	s6 =	sadd.s32 s21, s4  }
0x9e: {  	[timem:s8], [sflag:s22] =	dma.local [hbm:s6], s20  }
0x9f: {  	_ =	swait.ge [sflag:s22], s20  }
0xa0: {  	s5 =	ssub.s32 $0x0, s20;
	[sflag:s22] =	ssyncset.done $0x0  }
0xa1: {  	[sflag:s22] =	ssyncadd.s32 s5;
	_ =	sdelay $0x1  }
0xa2: {  	s23 =	simm.s32 $0x1B8B  }
0xa3: {  	_ =	swait.ge [sflag:s23], $0x1  }
0xa4: {  	[sflag:s23] =	ssyncset.done $0x0  }
0xa5: {  	s25 =	simm.s32 $0x1B8E;
	s24 =	sld [smem:$0x3FFE];
	[sflag:s23] =	ssyncadd.s32 $0xFFFFFFFF  }
0xa6: {  	s26 =	simm.s32 $execute0_lowered;
	[smem:$0x3FD2] =	sst s25  }
0xa7: {  	s6 =	sshll.u32 s26, $0x1;
	_ =	strace $0x80000046;
	[dreg:$0x1] =	wrdreg $0xFFFFFFFF  }
0xa8: {  	s28 =	simm.s32 $_size_execute0_lowered;
	s4 =	sadd.s32 s4, s6;
	[dreg:$0x0] =	wrdreg $0x0  }
0xa9: {  	s6 =	sshll.u32 s28, $0x1;
	[dreg:$0x2] =	wrdreg s4  }
0xaa: {  	[dreg:$0x3] =	wrdreg s6  }
0xab: {  	[dreg:$0x4] =	wrdreg $0xC0  }
0xac: {  	_ =	task [dreg:s8], $0x5FFFF  }
0xad: {  	[dreg:$0x1] =	wrdreg $0xFFFFFFFF  }
0xae: {  	[dreg:$0x0] =	wrdreg $0x60  }
0xaf: {  	[dreg:$0x2] =	wrdreg s2  }
0xb0: {  	[dreg:$0x3] =	wrdreg s24  }
0xb1: {  	[dreg:$0x4] =	wrdreg s18  }
0xb2: {  	[dreg:$0x5] =	wrdreg $0x1A4000  }
0xb3: {  	[dreg:$0x6] =	wrdreg $0x9  }
0xb4: {  	_ =	task.clear_ibuf [dreg:s8], $0x7FFFF;
	_ =	strace $0x90000046  }
0xb5: {  	s29 =	simm.s32 $0x9;
	_ =	strace $0x80000048  }
0xb6: {  	_ =	swait.ge [sflag:s29], $0x1  }
0xb7: {  	[sflag:s29] =	ssyncadd.s32 $0xFFFFFFFF  }
0xb8: {  	_ =	strace $0x90000048  }
0xb9: {  	_ =	sfence  }
0xba: {  	s30 =	sld [smem:$0x0];
	_ =	sdelay $0x2  }
0xbb: {  	s31 =	sshll.u32 s1, $0xD;
	s1 =	sshrl.u32 s1, $0x2  }
0xbc: {  	s3 =	sand.u32 $0x4000, s31;
	s1 =	sadd.s32 s1, s30  }
0xbd: {  	s0 =	sor.u32 s3, s0;
	s1 =	sshll.u32 s1, $0x11  }
0xbe: {  	s0 =	sor.u32 s1, s0  }
0xbf: {  	s0 =	sadd.s32 $0x8F2B, s0  }
0xc0: {  	[sflag:s0] =	ssyncadd.remote.s32 $0x1  }
0xc1: {  	_ =	sfence.sel $0xFFFF  }
0xc2: {  	[dreg:$0x0] =	wrdreg $0xFFFFFFFF;
	(pc) =	sbr.abs _section_cstart, $3  }
0xc3: {  	[dreg:$0x1] =	wrdreg $0xFFFFFFFF  }
0xc4: {  	_ =	task.clear_ibuf [dreg:s8], $0x2FFFF;
	_ =	strace $0x9FFFFFFF  }
0xc5: {  	(tm) =	ssettm $0x7FFFFFFF  }
tec
execute0_lowered:
.L_overlay_start_1:
0x0: {  	(tag) =	ssettag $0x1  }
0x1: {  	s1 =	rddreg [dreg:$0x0]  }
0x2: {  	s0 =	rddreg [dreg:$0x1]  }
0x3: {  	s2 =	rddreg [dreg:$0x2];
	s3 =	srdreg.scid  }
0x4: {  	s9 =	stileid.u32;
	s5 =	rddreg [dreg:$0x3]  }
0x5: {  	s10 =	simm.s32 $0x6400;
	s11 =	simm.s32 $0xA400;
	s13 =	simm.s32 $0xE400  }
0x6: {  	s15 =	simm.s32 $0x12400;
	s17 =	simm.s32 $0x16400;
	s18 =	simm.s32 $0x1  }
0x7: {  	s19 =	simm.s32 $0x2;
	s20 =	simm.s32 $0x3;
	s21 =	simm.s32 $0x6  }
0x8: {  	s23 =	simm.s32 $0x4;
	s24 =	simm.s32 $0x7;
	s28 =	simm.s32 $0x8  }
0x9: {  	s29 =	simm.s32 $0x380;
	s30 =	simm.s32 $0x9;
	s31 =	simm.s32 $0xA  }
0xa: {  	s12 =	simm.s32 $0x0;
	s4 =	sand.u32 $0x1, s3;
	s6 =	sshll.u32 s9, $0x1  }
0xb: {  	s3 =	simm.s32 $0x0;
	s26 =	sshll.u32 s9, $0xE;
	s9 =	simm.s32 $0x80  }
0xc: {  	s6 =	sor.u32 s4, s6;
	[smem:$0x7FF] =	sst s3;
	s4 =	ssub.s32 $0x2, s4  }
0xd: {  	s5 =	sadd.s32 s26, s5;
	s26 =	simm.s32 $0x5;
	s7 =	smul.u32 $0xC80, s6  }
0xe: {  	_ =	strace $0x80000047;
	s8 =	sshrl.u32 s4, $0x1;
	s6 =	smul.u32 $0x64000, s6  }
0xf: {  	s25 =	ssub.s32 s4, s8;
	s8 =	simm.s32 $0xB;
	s0 =	sadd.s32 s7, s0  }
0x10: {  	s6 =	sadd.s32 s2, s6;
	s7 =	smax.u32 s25, $0x1;
	s25 =	simm.s32 $0x300  }
0x11: {  	s2 =	simm.s32 $0x6300;
	s4 =	sadd.s32 $0x400, s0;
	s0 =	simm.s32 $0x6380  }
.LBB2_1:
0x12: {  	[tilespmem:s3], [sflag:$0xB] =	stream.linear.gather [hbm4b:s4+s3], $0x6400, $0x38;
	[tilespmem:$0x1E400] =	vst v63  }
0x13: {  	_ =	swait.ge [sflag:s8], $0x6400  }
0x14: {  	[sflag:s8] =	ssyncset.done $0x0  }
0x15: {  	[sflag:s8] =	ssyncadd.s32 $0xFFFF9C00  }
0x16: {  	[tilespmem:s10], [sflag:$0x1] =	stream.indirect.gather [hbm4b:s1+s9], $0x80, s3, s9, $0xb8;
	[tilespmem:$0x1E400] =	vst v63  }
0x17: {  	_ = 	snop  }
0x18: {  	[tilespmem:s11], [sflag:$0x2] =	stream.indirect.gather [hbm4b:s1+s9], $0x80, s9, s9, $0xb8;
	[tilespmem:$0x1E400] =	vst v63  }
0x19: {  	s14 =	simm.s32 $0x100  }
0x1a: {  	[tilespmem:s13], [sflag:$0x3] =	stream.indirect.gather [hbm4b:s1+s9], $0x80, s14, s9, $0xb8;
	[tilespmem:$0x1E400] =	vst v63  }
0x1b: {  	s22 =	simm.s32 $0x180  }
0x1c: {  	[tilespmem:s15], [sflag:$0x4] =	stream.indirect.gather [hbm4b:s1+s9], $0x80, s22, s9, $0xb8;
	[tilespmem:$0x1E400] =	vst v63  }
0x1d: {  	s16 =	simm.s32 $0x200  }
0x1e: {  	[tilespmem:s17], [sflag:$0x5] =	stream.indirect.gather [hbm4b:s1+s9], $0x80, s16, s9, $0xb8;
	[tilespmem:$0x1E400] =	vst v63  }
0x1f: {  	_ =	swait.ge [sflag:s18], $0x4000  }
0x20: {  	[sflag:s18] =	ssyncset.done $0x0  }
0x21: {  	[sflag:s18] =	ssyncadd.s32 $0xFFFFC000  }
0x22: {  	[spmem:s5] =	stream.linear.scatter [tilespmem:s10], [sflag:$0x6], $0x4000, $0x38;
	[tilespmem:$0x1E400] =	vst v63  }
0x23: {  	_ =	swait.ge [sflag:s19], $0x4000  }
0x24: {  	[sflag:s19] =	ssyncset.done $0x0  }
0x25: {  	[sflag:s19] =	ssyncadd.s32 $0xFFFFC000  }
0x26: {  	[spmem:s5] =	stream.linear.scatter [tilespmem:s11], [sflag:$0x7], $0x4000, $0x38;
	[tilespmem:$0x1E400] =	vst v63  }
0x27: {  	_ =	swait.ge [sflag:s20], $0x4000  }
0x28: {  	[sflag:s20] =	ssyncset.done $0x0  }
0x29: {  	[sflag:s20] =	ssyncadd.s32 $0xFFFFC000  }
0x2a: {  	[spmem:s5] =	stream.linear.scatter [tilespmem:s13], [sflag:$0x8], $0x4000, $0x38;
	[tilespmem:$0x1E400] =	vst v63  }
0x2b: {  	_ =	swait.ge [sflag:s21], $0x4000  }
0x2c: {  	[sflag:s21] =	ssyncset.done $0x0  }
0x2d: {  	s22 =	simm.s32 $0x280;
	[sflag:s21] =	ssyncadd.s32 $0xFFFFC000  }
0x2e: {  	[tilespmem:s10], [sflag:$0x1] =	stream.indirect.gather [hbm4b:s1+s9], $0x80, s22, s9, $0xb8;
	[tilespmem:$0x1E400] =	vst v63  }
0x2f: {  	_ =	swait.ge [sflag:s23], $0x4000  }
0x30: {  	[sflag:s23] =	ssyncset.done $0x0  }
0x31: {  	[sflag:s23] =	ssyncadd.s32 $0xFFFFC000  }
0x32: {  	[spmem:s5] =	stream.linear.scatter [tilespmem:s15], [sflag:$0x9], $0x4000, $0x38;
	[tilespmem:$0x1E400] =	vst v63  }
0x33: {  	_ =	swait.ge [sflag:s24], $0x4000  }
0x34: {  	[sflag:s24] =	ssyncset.done $0x0  }
0x35: {  	[sflag:s24] =	ssyncadd.s32 $0xFFFFC000  }
0x36: {  	[tilespmem:s11], [sflag:$0x2] =	stream.indirect.gather [hbm4b:s1+s9], $0x80, s25, s9, $0xb8;
	[tilespmem:$0x1E400] =	vst v63  }
0x37: {  	_ =	swait.ge [sflag:s26], $0x4000  }
0x38: {  	[sflag:s26] =	ssyncset.done $0x0  }
0x39: {  	[sflag:s26] =	ssyncadd.s32 $0xFFFFC000  }
0x3a: {  	[spmem:s5] =	stream.linear.scatter [tilespmem:s17], [sflag:$0xA], $0x4000, $0x38;
	[tilespmem:$0x1E400] =	vst v63  }
0x3b: {  	_ =	swait.ge [sflag:s28], $0x4000  }
0x3c: {  	[sflag:s28] =	ssyncset.done $0x0  }
0x3d: {  	[sflag:s28] =	ssyncadd.s32 $0xFFFFC000  }
0x3e: {  	[tilespmem:s13], [sflag:$0x3] =	stream.indirect.gather [hbm4b:s1+s9], $0x80, s29, s9, $0xb8;
	[tilespmem:$0x1E400] =	vst v63  }
0x3f: {  	_ =	swait.ge [sflag:s18], $0x4000  }
0x40: {  	[sflag:s18] =	ssyncset.done $0x0  }
0x41: {  	[sflag:s18] =	ssyncadd.s32 $0xFFFFC000  }
0x42: {  	[spmem:s5] =	stream.linear.scatter [tilespmem:s10], [sflag:$0x6], $0x4000, $0x38;
	[tilespmem:$0x1E400] =	vst v63  }
0x43: {  	_ =	swait.ge [sflag:s30], $0x4000  }
0x44: {  	[sflag:s30] =	ssyncset.done $0x0  }
0x45: {  	s16 =	simm.s32 $0x400;
	[sflag:s30] =	ssyncadd.s32 $0xFFFFC000  }
0x46: {  	[tilespmem:s15], [sflag:$0x4] =	stream.indirect.gather [hbm4b:s1+s9], $0x80, s16, s9, $0xb8;
	[tilespmem:$0x1E400] =	vst v63  }
0x47: {  	_ =	swait.ge [sflag:s19], $0x4000  }
0x48: {  	[sflag:s19] =	ssyncset.done $0x0  }
0x49: {  	[sflag:s19] =	ssyncadd.s32 $0xFFFFC000  }
0x4a: {  	[spmem:s5] =	stream.linear.scatter [tilespmem:s11], [sflag:$0x7], $0x4000, $0x38;
	[tilespmem:$0x1E400] =	vst v63  }
0x4b: {  	_ =	swait.ge [sflag:s31], $0x4000  }
0x4c: {  	[sflag:s31] =	ssyncset.done $0x0  }
0x4d: {  	s22 =	simm.s32 $0x480;
	[sflag:s31] =	ssyncadd.s32 $0xFFFFC000  }
0x4e: {  	[tilespmem:s17], [sflag:$0x5] =	stream.indirect.gather [hbm4b:s1+s9], $0x80, s22, s9, $0xb8;
	[tilespmem:$0x1E400] =	vst v63  }
0x4f: {  	_ =	swait.ge [sflag:s20], $0x4000  }
0x50: {  	[sflag:s20] =	ssyncset.done $0x0  }
0x51: {  	[sflag:s20] =	ssyncadd.s32 $0xFFFFC000  }
0x52: {  	[spmem:s5] =	stream.linear.scatter [tilespmem:s13], [sflag:$0x8], $0x4000, $0x38;
	[tilespmem:$0x1E400] =	vst v63  }
0x53: {  	_ =	swait.ge [sflag:s21], $0x4000  }
0x54: {  	[sflag:s21] =	ssyncset.done $0x0  }
0x55: {  	s16 =	simm.s32 $0x500;
	[sflag:s21] =	ssyncadd.s32 $0xFFFFC000  }
0x56: {  	[tilespmem:s10], [sflag:$0x1] =	stream.indirect.gather [hbm4b:s1+s9], $0x80, s16, s9, $0xb8;
	[tilespmem:$0x1E400] =	vst v63  }
0x57: {  	_ =	swait.ge [sflag:s23], $0x4000  }
0x58: {  	[sflag:s23] =	ssyncset.done $0x0  }
0x59: {  	[sflag:s23] =	ssyncadd.s32 $0xFFFFC000  }
0x5a: {  	[spmem:s5] =	stream.linear.scatter [tilespmem:s15], [sflag:$0x9], $0x4000, $0x38;
	[tilespmem:$0x1E400] =	vst v63  }
0x5b: {  	_ =	swait.ge [sflag:s24], $0x4000  }
0x5c: {  	[sflag:s24] =	ssyncset.done $0x0  }
0x5d: {  	s22 =	simm.s32 $0x580;
	[sflag:s24] =	ssyncadd.s32 $0xFFFFC000  }
0x5e: {  	[tilespmem:s11], [sflag:$0x2] =	stream.indirect.gather [hbm4b:s1+s9], $0x80, s22, s9, $0xb8;
	[tilespmem:$0x1E400] =	vst v63  }
0x5f: {  	_ =	swait.ge [sflag:s26], $0x4000  }
0x60: {  	[sflag:s26] =	ssyncset.done $0x0  }
0x61: {  	[sflag:s26] =	ssyncadd.s32 $0xFFFFC000  }
0x62: {  	[spmem:s5] =	stream.linear.scatter [tilespmem:s17], [sflag:$0xA], $0x4000, $0x38;
	[tilespmem:$0x1E400] =	vst v63  }
0x63: {  	_ =	swait.ge [sflag:s28], $0x4000  }
0x64: {  	[sflag:s28] =	ssyncset.done $0x0  }
0x65: {  	s14 =	simm.s32 $0xFFFE8E00;
	s16 =	simm.s32 $0x600;
	[sflag:s28] =	ssyncadd.s32 $0xFFFFC000  }
.LBB2_2:
0x66: {  	[tilespmem:s13], [sflag:$0x3] =	stream.indirect.gather [hbm4b:s1+s9], $0x80, s16, s9, $0xb8;
	[tilespmem:$0x1E400] =	vst v63  }
0x67: {  	s16 =	smov.u32 s14  }
0x68: {  	p0 =	sne.s32 s14, $0xFFFFF600;
	s14 =	sadd.s32 $0xA00, s14;
	_ =	swait.ge [sflag:s18], $0x4000  }
0x69: {  	[sflag:s18] =	ssyncset.done $0x0  }
0x6a: {  	[sflag:s18] =	ssyncadd.s32 $0xFFFFC000  }
0x6b: {  	[spmem:s5] =	stream.linear.scatter [tilespmem:s10], [sflag:$0x6], $0x4000, $0x38;
	[tilespmem:$0x1E400] =	vst v63  }
0x6c: {  	_ =	swait.ge [sflag:s30], $0x4000  }
0x6d: {  	s16 =	sshra.s32 s16, $0x2;
	[sflag:s30] =	ssyncset.done $0x0  }
0x6e: {  	s22 =	sadd.s32 $0x6300, s16;
	[sflag:s30] =	ssyncadd.s32 $0xFFFFC000  }
0x6f: {  	[tilespmem:s15], [sflag:$0x4] =	stream.indirect.gather [hbm4b:s1+s9], $0x80, s22, s9, $0xb8;
	[tilespmem:$0x1E400] =	vst v63  }
0x70: {  	_ =	swait.ge [sflag:s19], $0x4000  }
0x71: {  	[sflag:s19] =	ssyncset.done $0x0  }
0x72: {  	[sflag:s19] =	ssyncadd.s32 $0xFFFFC000  }
0x73: {  	[spmem:s5] =	stream.linear.scatter [tilespmem:s11], [sflag:$0x7], $0x4000, $0x38;
	[tilespmem:$0x1E400] =	vst v63  }
0x74: {  	_ =	swait.ge [sflag:s31], $0x4000  }
0x75: {  	[sflag:s31] =	ssyncset.done $0x0  }
0x76: {  	s22 =	sadd.s32 $0x6380, s16;
	[sflag:s31] =	ssyncadd.s32 $0xFFFFC000  }
0x77: {  	[tilespmem:s17], [sflag:$0x5] =	stream.indirect.gather [hbm4b:s1+s9], $0x80, s22, s9, $0xb8;
	[tilespmem:$0x1E400] =	vst v63  }
0x78: {  	_ =	swait.ge [sflag:s20], $0x4000  }
0x79: {  	[sflag:s20] =	ssyncset.done $0x0  }
0x7a: {  	[sflag:s20] =	ssyncadd.s32 $0xFFFFC000  }
0x7b: {  	[spmem:s5] =	stream.linear.scatter [tilespmem:s13], [sflag:$0x8], $0x4000, $0x38;
	[tilespmem:$0x1E400] =	vst v63  }
0x7c: {  	_ =	swait.ge [sflag:s21], $0x4000  }
0x7d: {  	[sflag:s21] =	ssyncset.done $0x0  }
0x7e: {  	s22 =	sadd.s32 $0x6400, s16;
	[sflag:s21] =	ssyncadd.s32 $0xFFFFC000  }
0x7f: {  	[tilespmem:s10], [sflag:$0x1] =	stream.indirect.gather [hbm4b:s1+s9], $0x80, s22, s9, $0xb8;
	[tilespmem:$0x1E400] =	vst v63  }
0x80: {  	_ =	swait.ge [sflag:s23], $0x4000  }
0x81: {  	[sflag:s23] =	ssyncset.done $0x0  }
0x82: {  	[sflag:s23] =	ssyncadd.s32 $0xFFFFC000  }
0x83: {  	[spmem:s5] =	stream.linear.scatter [tilespmem:s15], [sflag:$0x9], $0x4000, $0x38;
	[tilespmem:$0x1E400] =	vst v63  }
0x84: {  	_ =	swait.ge [sflag:s24], $0x4000  }
0x85: {  	[sflag:s24] =	ssyncset.done $0x0  }
0x86: {  	s22 =	sadd.s32 $0x6480, s16;
	[sflag:s24] =	ssyncadd.s32 $0xFFFFC000  }
0x87: {  	[tilespmem:s11], [sflag:$0x2] =	stream.indirect.gather [hbm4b:s1+s9], $0x80, s22, s9, $0xb8;
	[tilespmem:$0x1E400] =	vst v63  }
0x88: {  	_ =	swait.ge [sflag:s26], $0x4000  }
0x89: {  	[sflag:s26] =	ssyncset.done $0x0  }
.Ltmp0:
0x8a: {  	[sflag:s26] =	ssyncadd.s32 $0xFFFFC000;
	(pc) =	sbr.rel @p0 .LBB2_2-.Ltmp0, $4  }
0x8b: {  	[spmem:s5] =	stream.linear.scatter [tilespmem:s17], [sflag:$0xA], $0x4000, $0x38;
	[tilespmem:$0x1E400] =	vst v63  }
0x8c: {  	_ =	swait.ge [sflag:s28], $0x4000  }
0x8d: {  	[sflag:s28] =	ssyncset.done $0x0  }
0x8e: {  	s16 =	sadd.s32 $0x6500, s16;
	[sflag:s28] =	ssyncadd.s32 $0xFFFFC000  }
0x8f: {  	[tilespmem:s13], [sflag:$0x3] =	stream.indirect.gather [hbm4b:s1+s9], $0x80, s16, s9, $0xb8;
	[tilespmem:$0x1E400] =	vst v63  }
0x90: {  	_ =	swait.ge [sflag:s18], $0x4000  }
0x91: {  	[sflag:s18] =	ssyncset.done $0x0  }
0x92: {  	[sflag:s18] =	ssyncadd.s32 $0xFFFFC000  }
0x93: {  	[spmem:s5] =	stream.linear.scatter [tilespmem:s10], [sflag:$0x6], $0x4000, $0x38;
	[tilespmem:$0x1E400] =	vst v63  }
0x94: {  	_ =	swait.ge [sflag:s30], $0x4000  }
0x95: {  	[sflag:s30] =	ssyncset.done $0x0  }
0x96: {  	[sflag:s30] =	ssyncadd.s32 $0xFFFFC000  }
0x97: {  	[tilespmem:s15], [sflag:$0x4] =	stream.indirect.gather [hbm4b:s1+s9], $0x80, s2, s9, $0xb8;
	[tilespmem:$0x1E400] =	vst v63  }
0x98: {  	_ =	swait.ge [sflag:s19], $0x4000  }
0x99: {  	[sflag:s19] =	ssyncset.done $0x0  }
0x9a: {  	[sflag:s19] =	ssyncadd.s32 $0xFFFFC000  }
0x9b: {  	[spmem:s5] =	stream.linear.scatter [tilespmem:s11], [sflag:$0x7], $0x4000, $0x38;
	[tilespmem:$0x1E400] =	vst v63  }
0x9c: {  	_ =	swait.ge [sflag:s31], $0x4000  }
0x9d: {  	[sflag:s31] =	ssyncset.done $0x0  }
0x9e: {  	[sflag:s31] =	ssyncadd.s32 $0xFFFFC000  }
0x9f: {  	[tilespmem:s17], [sflag:$0x5] =	stream.indirect.gather [hbm4b:s1+s9], $0x80, s0, s9, $0xb8;
	[tilespmem:$0x1E400] =	vst v63  }
0xa0: {  	_ =	swait.ge [sflag:s20], $0x4000  }
0xa1: {  	[sflag:s20] =	ssyncset.done $0x0  }
0xa2: {  	[sflag:s20] =	ssyncadd.s32 $0xFFFFC000  }
0xa3: {  	[spmem:s5] =	stream.linear.scatter [tilespmem:s13], [sflag:$0x8], $0x4000, $0x38;
	[tilespmem:$0x1E400] =	vst v63  }
0xa4: {  	_ =	swait.ge [sflag:s21], $0x4000  }
0xa5: {  	[sflag:s21] =	ssyncset.done $0x0  }
0xa6: {  	[sflag:s21] =	ssyncadd.s32 $0xFFFFC000  }
0xa7: {  	_ =	swait.ge [sflag:s23], $0x4000  }
0xa8: {  	[sflag:s23] =	ssyncset.done $0x0  }
0xa9: {  	[sflag:s23] =	ssyncadd.s32 $0xFFFFC000  }
0xaa: {  	[spmem:s5] =	stream.linear.scatter [tilespmem:s15], [sflag:$0x9], $0x4000, $0x38;
	[tilespmem:$0x1E400] =	vst v63  }
0xab: {  	_ =	swait.ge [sflag:s24], $0x4000  }
0xac: {  	[sflag:s24] =	ssyncset.done $0x0  }
0xad: {  	[sflag:s24] =	ssyncadd.s32 $0xFFFFC000  }
0xae: {  	_ =	swait.ge [sflag:s26], $0x4000  }
0xaf: {  	[sflag:s26] =	ssyncset.done $0x0  }
0xb0: {  	[sflag:s26] =	ssyncadd.s32 $0xFFFFC000  }
0xb1: {  	[spmem:s5] =	stream.linear.scatter [tilespmem:s17], [sflag:$0xA], $0x4000, $0x38;
	[tilespmem:$0x1E400] =	vst v63  }
0xb2: {  	_ =	swait.ge [sflag:s28], $0x4000  }
0xb3: {  	[sflag:s28] =	ssyncset.done $0x0  }
0xb4: {  	[sflag:s28] =	ssyncadd.s32 $0xFFFFC000  }
0xb5: {  	_ =	swait.ge [sflag:s30], $0x4000  }
0xb6: {  	[sflag:s30] =	ssyncset.done $0x0  }
0xb7: {  	[sflag:s30] =	ssyncadd.s32 $0xFFFFC000  }
0xb8: {  	s12 =	sadd.s32 $0x1, s12;
	_ =	swait.ge [sflag:s31], $0x4000  }
0xb9: {  	p0 =	sne.s32 s12, s7;
	[sflag:s31] =	ssyncset.done $0x0  }
.Ltmp1:
0xba: {  	[sflag:s31] =	ssyncadd.s32 $0xFFFFC000;
	(pc) =	sbr.rel @p0 .LBB2_1-.Ltmp1, $4  }
0xbb: {  	[hbm4b:s6+s3] =	stream.linear.scatter [tilespmem:s10], [sflag:$0xB], $0x4000, $0x38;
	[tilespmem:$0x1E400] =	vst v63  }
0xbc: {  	_ =	swait.ge [sflag:s8], $0x4000  }
0xbd: {  	[sflag:s8] =	ssyncset.done $0x0  }
0xbe: {  	[sflag:s8] =	ssyncadd.s32 $0xFFFFC000  }
0xbf: {  	_ =	sfence.sel $0x180000  }
0xc0: {  	[bflag:$0x0] =	sbarrier.arrive $0xFFFF  }
0xc1: {  	_ =	strace $0x90000047  }
0xc2: {  	s0 =	stileid.u32;
	[bflag:$0x2] =	sbarrier.arrive $0xFFFF  }
0xc3: {  	p0 =	sne.s32 s0, $0x0;
	s0 =	rddreg [dreg:$0x4]  }
0xc4: {  	s0 =	sadd.s32 @!p0 $0x100000, s0  }
0xc5: {  	[sflag:s0] =	ssyncadd.tile.s32 @!p0 $0x1;
	_ =	shalt  }
.Lfunc_end2:
_tile_overlayer_lowered:
.L_overlay_start_2:
0xc6: {  	(tag) =	ssettag $0x2  }
0xc7: {  	s0 =	rddreg [dreg:$0x0];
	s2 =	stileid.u32  }
0xc8: {  	s1 =	rddreg [dreg:$0x1];
	p0 =	sne.s32 s2, $0x0  }
0xc9: {  	s3 =	rddreg [dreg:$0x2];
	[bflag:$0x3] =	sbarrier.arrive $0xFFFF;
	s2 =	simm.s32 @!p0 $0x1C0B  }
0xca: {  	[timem:s3], [sflag:s2] =	dma.local @!p0 [hbm:s0], s1  }
0xcb: {  	s0 =	simm.s32 @!p0 $0xB  }
0xcc: {  	_ =	swait.ge @!p0 [sflag:s0], s1  }
0xcd: {  	s1 =	ssub.s32 @!p0 $0x0, s1;
	[sflag:s0] =	ssyncset.done @!p0 $0x0  }
0xce: {  	[sflag:s0] =	ssyncadd.s32 @!p0 s1  }
0xcf: {  	[bflag:$0x3] =	sbarrier.arrive $0xFFFF  }
0xd0: {  	_ =	shalt  }

</sc_bundles>
